<compile_context>
chip_gen: v7x
topology: tpu7x:2x2x1
jax: 0.10.2.dev20260603
libtpu: 0.0.44.dev20260713+nightly
codegen_flags: <defaults>
</compile_context>

<pallas_src>
import functools

import jax
import jax.numpy as jnp
from jax import lax
from jax.experimental import pallas as pl
from jax.experimental.pallas import tpu as pltpu
from jax.experimental.pallas import tpu_sc as plsc

RAD = 0.02
THRESH = 2.0 * RAD
T2 = THRESH * THRESH
WINDOW = 0.159
NP = 2048
N = 2000
B = 8
SLABS = 4
RPW = N // SLABS
L = 16


def _iota16():
    return lax.broadcasted_iota(jnp.int32, (L,), 0)


def _bf16r(v):
    u = lax.bitcast_convert_type(v, jnp.int32)
    rb = jnp.bitwise_and(lax.shift_right_logical(u, 16), 1)
    u = jnp.bitwise_and(u + 0x7FFF + rb, jnp.int32(-65536))
    return lax.bitcast_convert_type(u, jnp.float32)


HBUF = 14336
FLUSH_AT = HBUF - 5 * NP


def _sc_body(pos_hbm, cnt_hbm, loss_hbm,
             x_ref, y_ref, z_ref, bx_ref, by_ref, bz_ref, sq_ref,
             trips_ref, hbuf_ref, cacc_ref, lacc_ref, sem):
    c = lax.axis_index("c")
    s = lax.axis_index("s")
    wid = s * 2 + c
    b = wid // SLABS
    slab = wid % SLABS
    r0 = slab * RPW

    base = b * (3 * NP)
    pltpu.sync_copy(pos_hbm.at[pl.ds(base, NP)], x_ref)
    pltpu.sync_copy(pos_hbm.at[pl.ds(base + NP, NP)], y_ref)
    pltpu.sync_copy(pos_hbm.at[pl.ds(base + 2 * NP, NP)], z_ref)

    def pre(k, _):
        sl = pl.ds(k * L, L)
        xv = x_ref[sl]
        yv = y_ref[sl]
        zv = z_ref[sl]
        bxv = _bf16r(xv)
        byv = _bf16r(yv)
        bzv = _bf16r(zv)
        sqv = xv * xv + yv * yv + zv * zv
        bx_ref[sl] = bxv
        by_ref[sl] = byv
        bz_ref[sl] = bzv
        sq_ref[sl] = sqv
        return 0

    lax.fori_loop(0, NP // L, pre, 0)

    def ends(k, _):
        i_v = r0 + k * L + _iota16()
        tgt = plsc.load_gather(x_ref, [i_v]) + WINDOW
        e = jnp.zeros((L,), jnp.int32)
        for sh in (1024, 512, 256, 128, 64, 32, 16, 8, 4, 2, 1):
            probe = e + (sh - 1)
            below = plsc.load_gather(x_ref, [probe]) < tgt
            e = e + jnp.where(below, sh, 0)
        trips = lax.shift_right_logical(e - i_v + (L - 2), 4)
        trips_ref[pl.ds(r0 + k * L, L)] = trips
        return 0

    lax.fori_loop(0, RPW // L + 1, ends, 0)

    def drain(n, loss_v):
        dtrips = lax.shift_right_logical(n + (L - 1), 4)

        def dchunk(k, lv):
            v = hbuf_ref[pl.ds(k * L, L)]
            valid = (k * L + _iota16()) < n
            a = jnp.maximum(v, 0.0) + 1e-12
            u = lax.bitcast_convert_type(a, jnp.int32)
            u = 0x5F3759DF - lax.shift_right_logical(u, 1)
            r = lax.bitcast_convert_type(u, jnp.float32)
            ha = 0.5 * a
            r = r * (1.5 - ha * r * r)
            r = r * (1.5 - ha * r * r)
            r = r * (1.5 - ha * r * r)
            pen = THRESH - a * r
            return lv + jnp.where(valid, pen * pen, 0.0)

        return lax.fori_loop(0, dtrips, dchunk, loss_v)

    def rowquad(g, carry):
        ptr, flushed, loss_v = carry
        i = r0 + 5 * g
        rows = []
        for m in range(5):
            im = i + m
            rows.append((
                jnp.full((L,), bx_ref[pl.ds(im, L)][0] * 2.0, jnp.float32),
                jnp.full((L,), by_ref[pl.ds(im, L)][0] * 2.0, jnp.float32),
                jnp.full((L,), bz_ref[pl.ds(im, L)][0] * 2.0, jnp.float32),
                jnp.full((L,), sq_ref[pl.ds(im, L)][0], jnp.float32),
                jnp.full((L,), im, jnp.int32),
                trips_ref[pl.ds(im, L)][0],
            ))

        base = i + 1
        lim = i + 1 + rows[0][5] * L
        for m in range(1, 5):
            lim = jnp.maximum(lim, i + m + 1 + rows[m][5] * L)
        gtrips = lax.shift_right_logical(lim - base + (L - 1), 4)

        @plsc.parallel_loop(0, gtrips, unroll=2, carry=ptr)
        def chunk(k, ptr):
            idx = (base + k * L) + _iota16()
            bxj = plsc.load_gather(bx_ref, [idx])
            byj = plsc.load_gather(by_ref, [idx])
            bzj = plsc.load_gather(bz_ref, [idx])
            sqj = plsc.load_gather(sq_ref, [idx])
            for m in range(5):
                bxm, bym, bzm, sqm, im_b, _ = rows[m]
                d2m = (sqm + sqj) - (bxm * bxj + bym * byj + bzm * bzj)
                hitm = d2m < T2
                if m > 0:
                    hitm = hitm & (idx > im_b)
                plsc.store_compressed(hbuf_ref.at[pl.ds(ptr, L)], d2m,
                                      mask=hitm)
                ptr = ptr + plsc.all_reduce_population_count(hitm)[0]
            return ptr

        ptr = chunk

        def flush(args):
            ptr, flushed, loss_v = args
            return (jnp.int32(0), flushed + ptr, drain(ptr, loss_v))

        return lax.cond(ptr >= FLUSH_AT, flush, lambda a: a,
                        (ptr, flushed, loss_v))

    ptr, flushed, loss_v = lax.fori_loop(
        0, RPW // 5, rowquad,
        (jnp.int32(0), jnp.int32(0), jnp.zeros((L,), jnp.float32)))

    loss_v = drain(ptr, loss_v)
    total = flushed + ptr
    cacc_ref[...] = jnp.where(_iota16() == 0, total, 0)
    lacc_ref[...] = loss_v
    pltpu.sync_copy(cacc_ref, cnt_hbm.at[pl.ds(wid * L, L)])
    pltpu.sync_copy(lacc_ref, loss_hbm.at[pl.ds(wid * L, L)])


@jax.jit
def kernel(pos):
    x = pos[:, :, 0]
    y = pos[:, :, 1]
    z = pos[:, :, 2]
    xs, ys, zs = lax.sort((x, y, z), dimension=1, num_keys=1)
    padv = jnp.exp2(7.0 + jnp.arange(NP - N, dtype=pos.dtype))
    padm = jnp.broadcast_to(padv, (B, NP - N))
    xs = jnp.concatenate([xs, padm], axis=1)
    ys = jnp.concatenate([ys, padm], axis=1)
    zs = jnp.concatenate([zs, padm], axis=1)
    pos_s = jnp.stack([xs, ys, zs], axis=1).reshape(B * 3 * NP)

    mesh = plsc.VectorSubcoreMesh(core_axis_name="c", subcore_axis_name="s")
    f = functools.partial(
        pl.kernel, _sc_body, mesh=mesh,
        compiler_params=pltpu.CompilerParams(needs_layout_passes=False),
        out_type=[
            jax.ShapeDtypeStruct((32 * L,), jnp.int32),
            jax.ShapeDtypeStruct((32 * L,), jnp.float32),
        ],
        scratch_types=[
            pltpu.VMEM((NP,), jnp.float32),
            pltpu.VMEM((NP,), jnp.float32),
            pltpu.VMEM((NP,), jnp.float32),
            pltpu.VMEM((NP,), jnp.float32),
            pltpu.VMEM((NP,), jnp.float32),
            pltpu.VMEM((NP,), jnp.float32),
            pltpu.VMEM((NP,), jnp.float32),
            pltpu.VMEM((NP,), jnp.int32),
            pltpu.VMEM((HBUF,), jnp.float32),
            pltpu.VMEM((L,), jnp.int32),
            pltpu.VMEM((L,), jnp.float32),
            pltpu.SemaphoreType.DMA,
        ],
    )()
    cnt, loss = f(pos_s)
    return (jnp.sum(cnt).astype(jnp.int32), jnp.sum(loss))

# --- scband reference (transcript-rebuilt; emitter-appended) ---
"""Pipeline reference for scband-robot-collision-65584150610357 (READ-ONLY COPY).

The authoritative reference and input builder live on the scoring server;
editing this copy changes nothing except your own understanding.
"""

import jax, jax.numpy as jnp
import numpy as np

RAD = 0.02
SORT_DIM = 0


def setup_inputs(seed: int = 0) -> dict:
    key = jax.random.key(seed)
    pos = jax.random.uniform(key, (8, 2000, 3), dtype=jnp.float32)
    return {"pos": pos}


def reference(pos):
    # Faithful translation of the sweep-and-prune CUDA collision kernel's
    # mathematical result: count all unordered pairs (i, j) within a batch
    # whose Euclidean distance is below 2*rad, and accumulate a quadratic
    # penetration-depth penalty as the loss. The CUDA code sorts along
    # sortDim purely as a pruning optimization; the sort does not change
    # the set of colliding pairs, so the dense pairwise computation below
    # is mathematically equivalent.
    rad = RAD
    thresh = 2.0 * rad
    # (mirrors: _, sortedIdx = torch.sort(pos[:, :, sortDim], dim=1))
    sorted_idx = jnp.argsort(pos[:, :, SORT_DIM], axis=1)  # computed for fidelity; pruning only
    del sorted_idx
    sq = jnp.sum(pos * pos, axis=-1)  # [B, N]
    d2 = sq[:, :, None] + sq[:, None, :] - 2.0 * jnp.einsum('bnd,bmd->bnm', pos, pos)
    d2 = jnp.maximum(d2, 0.0)
    N = pos.shape[1]
    iu = jnp.triu(jnp.ones((N, N), dtype=bool), k=1)
    colliding = (d2 < thresh * thresh) & iu[None, :, :]
    count = jnp.sum(colliding).astype(jnp.int32)
    d = jnp.sqrt(d2 + 1e-12)
    pen = jnp.where(colliding, thresh - d, 0.0)
    loss = jnp.sum(pen * pen)
    return (count, loss)

if __name__ == "__main__":
    import jax
    _d = setup_inputs()
    print(jax.jit(kernel)(*tuple(_d.values())))

</pallas_src>

<mosaic_0001>
#map = affine_map<(d0, d1) -> (0)>
module attributes {stable_mosaic.version = 14 : i64} {
  func.func @_sc_body(%arg0: i32, %arg1: i32, %arg2: memref<49152xf32, #tpu.memory_space<hbm>>, %arg3: memref<512xi32, #tpu.memory_space<hbm>>, %arg4: memref<512xf32, #tpu.memory_space<hbm>>, %arg5: memref<2048xf32, #tpu.memory_space<vmem>>, %arg6: memref<2048xf32, #tpu.memory_space<vmem>>, %arg7: memref<2048xf32, #tpu.memory_space<vmem>>, %arg8: memref<2048xf32, #tpu.memory_space<vmem>>, %arg9: memref<2048xf32, #tpu.memory_space<vmem>>, %arg10: memref<2048xf32, #tpu.memory_space<vmem>>, %arg11: memref<2048xf32, #tpu.memory_space<vmem>>, %arg12: memref<2048xi32, #tpu.memory_space<vmem>>, %arg13: memref<14336xf32, #tpu.memory_space<vmem>>, %arg14: memref<16xi32, #tpu.memory_space<vmem>>, %arg15: memref<16xf32, #tpu.memory_space<vmem>>, %arg16: memref<!tpu.dma_semaphore, #tpu.memory_space<semaphore_mem>>) attributes {dimension_semantics = [#tpu.dimension_semantics<core_parallel>, #tpu.dimension_semantics<subcore_parallel>], iteration_bounds = array<i64: 2, 16>, scalar_prefetch = 0 : i64, scratch_operands = 12 : i64, tpu.core_type = #tpu.core_type<sc_vector_subcore>, window_params = [{transform_indices = #map}, {transform_indices = #map}, {transform_indices = #map}]} {
    %mul3A = arith.constant 2 : i32
    %mul3A_0 = arith.muli %arg1, %mul3A : i32
    %add3A = arith.addi %mul3A_0, %arg0 : i32
    %jit3A = arith.constant 4 : i32
    %div3A = arith.divsi %add3A, %jit3A : i32
    %sign3A = arith.constant 0 : i32
    %sign3A_1 = arith.cmpi sgt, %add3A, %sign3A : i32
    %sign3A_2 = arith.extui %sign3A_1 : i1 to i32
    %sign3A_3 = arith.constant 0 : i32
    %sign3A_4 = arith.cmpi slt, %add3A, %sign3A_3 : i32
    %sign3A_5 = arith.extui %sign3A_4 : i1 to i32
    %sign3A_6 = arith.subi %sign3A_2, %sign3A_5 : i32
    %sign3A_7 = arith.constant 0 : i32
    %sign3A_8 = arith.cmpi sgt, %jit3A, %sign3A_7 : i32
    %sign3A_9 = arith.extui %sign3A_8 : i1 to i32
    %sign3A_10 = arith.constant 0 : i32
    %sign3A_11 = arith.cmpi slt, %jit3A, %sign3A_10 : i32
    %sign3A_12 = arith.extui %sign3A_11 : i1 to i32
    %sign3A_13 = arith.subi %sign3A_9, %sign3A_12 : i32
    %ne3A = arith.cmpi ne, %sign3A_6, %sign3A_13 : i32
    %rem3A = arith.remsi %add3A, %jit3A : i32
    %ne3A_14 = arith.constant 0 : i32
    %ne3A_15 = arith.cmpi ne, %rem3A, %ne3A_14 : i32
    %and3A = arith.andi %ne3A, %ne3A_15 : i1
    %sub3A = arith.constant 1 : i32
    %sub3A_16 = arith.subi %div3A, %sub3A : i32
    %select_n3A = arith.select %and3A, %sub3A_16, %div3A : i32
    %jit3A_17 = arith.constant 4 : i32
    %eq3A = arith.constant 0 : i32
    %eq3A_18 = arith.cmpi eq, %jit3A_17, %eq3A : i32
    %jit3A_19 = arith.constant 1 : i32
    %select_n3A_20 = arith.select %eq3A_18, %jit3A_19, %jit3A_17 : i32
    %rem3A_21 = arith.remsi %add3A, %select_n3A_20 : i32
    %ne3A_22 = arith.constant 0 : i32
    %ne3A_23 = arith.cmpi ne, %rem3A_21, %ne3A_22 : i32
    %lt3A = arith.constant 0 : i32
    %lt3A_24 = arith.cmpi slt, %rem3A_21, %lt3A : i32
    %lt3A_25 = arith.constant 0 : i32
    %lt3A_26 = arith.cmpi slt, %select_n3A_20, %lt3A_25 : i32
    %ne3A_27 = arith.xori %lt3A_24, %lt3A_26 : i1
    %and3A_28 = arith.andi %ne3A_27, %ne3A_23 : i1
    %add3A_29 = arith.addi %rem3A_21, %select_n3A_20 : i32
    %select_n3A_30 = arith.select %and3A_28, %add3A_29, %rem3A_21 : i32
    %mul3A_31 = arith.constant 500 : i32
    %mul3A_32 = arith.muli %select_n3A_30, %mul3A_31 : i32
    %mul3A_33 = arith.constant 6144 : i32
    %mul3A_34 = arith.muli %select_n3A, %mul3A_33 : i32
    "tpu.region"() ({
      %run_scoped3A = tpu.sem_alloc : memref<!tpu.dma_semaphore, #tpu.memory_space<semaphore_mem>>
      %dma_start3A = tpu.memref_slice %arg2[%mul3A_34] : memref<49152xf32, #tpu.memory_space<hbm>> -> memref<2048xf32, #tpu.memory_space<hbm>>
      %dma_start3A_89 = tpu.memref_slice %arg2[%mul3A_34] : memref<49152xf32, #tpu.memory_space<hbm>> -> memref<2048xf32, #tpu.memory_space<hbm>>
      tpu.enqueue_dma source(%dma_start3A_89 : memref<2048xf32, #tpu.memory_space<hbm>>) target(%arg5 : memref<2048xf32, #tpu.memory_space<vmem>>) target_semaphore(%run_scoped3A : memref<!tpu.dma_semaphore, #tpu.memory_space<semaphore_mem>>)
      %dma_wait3A = tpu.memref_slice %arg2[%mul3A_34] : memref<49152xf32, #tpu.memory_space<hbm>> -> memref<2048xf32, #tpu.memory_space<hbm>>
      %dma_wait3A_90 = tpu.memref_slice %arg2[%mul3A_34] : memref<49152xf32, #tpu.memory_space<hbm>> -> memref<2048xf32, #tpu.memory_space<hbm>>
      tpu.wait_dma2 semaphore(%run_scoped3A : memref<!tpu.dma_semaphore, #tpu.memory_space<semaphore_mem>>) src(%dma_wait3A_90 : memref<2048xf32, #tpu.memory_space<hbm>>) dst(%arg5 : memref<2048xf32, #tpu.memory_space<vmem>>)
      tpu.yield
    }) : () -> ()
    %add3A_35 = arith.constant 2048 : i32
    %add3A_36 = arith.addi %mul3A_34, %add3A_35 : i32
    "tpu.region"() ({
      %run_scoped3A = tpu.sem_alloc : memref<!tpu.dma_semaphore, #tpu.memory_space<semaphore_mem>>
      %dma_start3A = tpu.memref_slice %arg2[%add3A_36] : memref<49152xf32, #tpu.memory_space<hbm>> -> memref<2048xf32, #tpu.memory_space<hbm>>
      %dma_start3A_89 = tpu.memref_slice %arg2[%add3A_36] : memref<49152xf32, #tpu.memory_space<hbm>> -> memref<2048xf32, #tpu.memory_space<hbm>>
      tpu.enqueue_dma source(%dma_start3A_89 : memref<2048xf32, #tpu.memory_space<hbm>>) target(%arg6 : memref<2048xf32, #tpu.memory_space<vmem>>) target_semaphore(%run_scoped3A : memref<!tpu.dma_semaphore, #tpu.memory_space<semaphore_mem>>)
      %dma_wait3A = tpu.memref_slice %arg2[%add3A_36] : memref<49152xf32, #tpu.memory_space<hbm>> -> memref<2048xf32, #tpu.memory_space<hbm>>
      %dma_wait3A_90 = tpu.memref_slice %arg2[%add3A_36] : memref<49152xf32, #tpu.memory_space<hbm>> -> memref<2048xf32, #tpu.memory_space<hbm>>
      tpu.wait_dma2 semaphore(%run_scoped3A : memref<!tpu.dma_semaphore, #tpu.memory_space<semaphore_mem>>) src(%dma_wait3A_90 : memref<2048xf32, #tpu.memory_space<hbm>>) dst(%arg6 : memref<2048xf32, #tpu.memory_space<vmem>>)
      tpu.yield
    }) : () -> ()
    %add3A_37 = arith.constant 4096 : i32
    %add3A_38 = arith.addi %mul3A_34, %add3A_37 : i32
    "tpu.region"() ({
      %run_scoped3A = tpu.sem_alloc : memref<!tpu.dma_semaphore, #tpu.memory_space<semaphore_mem>>
      %dma_start3A = tpu.memref_slice %arg2[%add3A_38] : memref<49152xf32, #tpu.memory_space<hbm>> -> memref<2048xf32, #tpu.memory_space<hbm>>
      %dma_start3A_89 = tpu.memref_slice %arg2[%add3A_38] : memref<49152xf32, #tpu.memory_space<hbm>> -> memref<2048xf32, #tpu.memory_space<hbm>>
      tpu.enqueue_dma source(%dma_start3A_89 : memref<2048xf32, #tpu.memory_space<hbm>>) target(%arg7 : memref<2048xf32, #tpu.memory_space<vmem>>) target_semaphore(%run_scoped3A : memref<!tpu.dma_semaphore, #tpu.memory_space<semaphore_mem>>)
      %dma_wait3A = tpu.memref_slice %arg2[%add3A_38] : memref<49152xf32, #tpu.memory_space<hbm>> -> memref<2048xf32, #tpu.memory_space<hbm>>
      %dma_wait3A_90 = tpu.memref_slice %arg2[%add3A_38] : memref<49152xf32, #tpu.memory_space<hbm>> -> memref<2048xf32, #tpu.memory_space<hbm>>
      tpu.wait_dma2 semaphore(%run_scoped3A : memref<!tpu.dma_semaphore, #tpu.memory_space<semaphore_mem>>) src(%dma_wait3A_90 : memref<2048xf32, #tpu.memory_space<hbm>>) dst(%arg7 : memref<2048xf32, #tpu.memory_space<vmem>>)
      tpu.yield
    }) : () -> ()
    %scan3A = arith.constant 0 : i32
    %scan3A_39 = arith.constant 0 : i32
    %scan3A_40 = arith.constant 128 : i32
    %scan3A_41 = arith.addi %scan3A_39, %scan3A_40 : i32
    %scan3A_42 = arith.constant 1 : i32
    %scan3A_43 = scf.for %scan3A_89 = %scan3A_39 to %scan3A_41 step %scan3A_42 iter_args(%scan3A_90 = %scan3A) -> (i32)  : i32 {
      %mul3A_91 = arith.constant 16 : i32
      %mul3A_92 = arith.muli %scan3A_89, %mul3A_91 : i32
      %get3A = arith.index_cast %mul3A_92 : i32 to index
      %get3A_93 = tpu.vector_load %arg5[%get3A] {strides = array<i32>} : memref<2048xf32, #tpu.memory_space<vmem>>, vector<16xf32>,
      %get3A_94 = arith.index_cast %mul3A_92 : i32 to index
      %get3A_95 = tpu.vector_load %arg6[%get3A_94] {strides = array<i32>} : memref<2048xf32, #tpu.memory_space<vmem>>, vector<16xf32>,
      %get3A_96 = arith.index_cast %mul3A_92 : i32 to index
      %get3A_97 = tpu.vector_load %arg7[%get3A_96] {strides = array<i32>} : memref<2048xf32, #tpu.memory_space<vmem>>, vector<16xf32>,
      %bitcast_convert_type3A = tpu.bitcast %get3A_93 : vector<16xf32> -> vector<16xi32>
      %shift_right_logical3A_98 = arith.constant 16 : i32
      %shift_right_logical3A_99 = vector.broadcast %shift_right_logical3A_98 : i32 to vector<16xi32>
      %shift_right_logical3A_100 = arith.shrui %bitcast_convert_type3A, %shift_right_logical3A_99 : vector<16xi32>
      %and3A_101 = arith.constant 1 : i32
      %and3A_102 = vector.broadcast %and3A_101 : i32 to vector<16xi32>
      %and3A_103 = arith.andi %shift_right_logical3A_100, %and3A_102 : vector<16xi32>
      %add3A_104 = arith.constant 32767 : i32
      %add3A_105 = vector.broadcast %add3A_104 : i32 to vector<16xi32>
      %add3A_106 = arith.addi %bitcast_convert_type3A, %add3A_105 : vector<16xi32>
      %add3A_107 = arith.addi %add3A_106, %and3A_103 : vector<16xi32>
      %and3A_108 = arith.constant -65536 : i32
      %and3A_109 = vector.broadcast %and3A_108 : i32 to vector<16xi32>
      %and3A_110 = arith.andi %add3A_107, %and3A_109 : vector<16xi32>
      %bitcast_convert_type3A_111 = tpu.bitcast %and3A_110 : vector<16xi32> -> vector<16xf32>
      %bitcast_convert_type3A_112 = tpu.bitcast %get3A_95 : vector<16xf32> -> vector<16xi32>
      %shift_right_logical3A_113 = arith.constant 16 : i32
      %shift_right_logical3A_114 = vector.broadcast %shift_right_logical3A_113 : i32 to vector<16xi32>
      %shift_right_logical3A_115 = arith.shrui %bitcast_convert_type3A_112, %shift_right_logical3A_114 : vector<16xi32>
      %and3A_116 = arith.constant 1 : i32
      %and3A_117 = vector.broadcast %and3A_116 : i32 to vector<16xi32>
      %and3A_118 = arith.andi %shift_right_logical3A_115, %and3A_117 : vector<16xi32>
      %add3A_119 = arith.constant 32767 : i32
      %add3A_120 = vector.broadcast %add3A_119 : i32 to vector<16xi32>
      %add3A_121 = arith.addi %bitcast_convert_type3A_112, %add3A_120 : vector<16xi32>
      %add3A_122 = arith.addi %add3A_121, %and3A_118 : vector<16xi32>
      %and3A_123 = arith.constant -65536 : i32
      %and3A_124 = vector.broadcast %and3A_123 : i32 to vector<16xi32>
      %and3A_125 = arith.andi %add3A_122, %and3A_124 : vector<16xi32>
      %bitcast_convert_type3A_126 = tpu.bitcast %and3A_125 : vector<16xi32> -> vector<16xf32>
      %bitcast_convert_type3A_127 = tpu.bitcast %get3A_97 : vector<16xf32> -> vector<16xi32>
      %shift_right_logical3A_128 = arith.constant 16 : i32
      %shift_right_logical3A_129 = vector.broadcast %shift_right_logical3A_128 : i32 to vector<16xi32>
      %shift_right_logical3A_130 = arith.shrui %bitcast_convert_type3A_127, %shift_right_logical3A_129 : vector<16xi32>
      %and3A_131 = arith.constant 1 : i32
      %and3A_132 = vector.broadcast %and3A_131 : i32 to vector<16xi32>
      %and3A_133 = arith.andi %shift_right_logical3A_130, %and3A_132 : vector<16xi32>
      %add3A_134 = arith.constant 32767 : i32
      %add3A_135 = vector.broadcast %add3A_134 : i32 to vector<16xi32>
      %add3A_136 = arith.addi %bitcast_convert_type3A_127, %add3A_135 : vector<16xi32>
      %add3A_137 = arith.addi %add3A_136, %and3A_133 : vector<16xi32>
      %and3A_138 = arith.constant -65536 : i32
      %and3A_139 = vector.broadcast %and3A_138 : i32 to vector<16xi32>
      %and3A_140 = arith.andi %add3A_137, %and3A_139 : vector<16xi32>
      %bitcast_convert_type3A_141 = tpu.bitcast %and3A_140 : vector<16xi32> -> vector<16xf32>
      %mul3A_142 = arith.mulf %get3A_93, %get3A_93 : vector<16xf32>
      %mul3A_143 = arith.mulf %get3A_95, %get3A_95 : vector<16xf32>
      %add3A_144 = arith.addf %mul3A_142, %mul3A_143 : vector<16xf32>
      %mul3A_145 = arith.mulf %get3A_97, %get3A_97 : vector<16xf32>
      %add3A_146 = arith.addf %add3A_144, %mul3A_145 : vector<16xf32>
      %swap3A_147 = arith.index_cast %mul3A_92 : i32 to index
      %swap3A_148 = tpu.vector_load %arg8[%swap3A_147] {strides = array<i32>} : memref<2048xf32, #tpu.memory_space<vmem>>, vector<16xf32>,
      tpu.vector_store %arg8[%swap3A_147], %bitcast_convert_type3A_111 {strides = array<i32>} : memref<2048xf32, #tpu.memory_space<vmem>>, vector<16xf32>,
      %swap3A_149 = arith.index_cast %mul3A_92 : i32 to index
      %swap3A_150 = tpu.vector_load %arg9[%swap3A_149] {strides = array<i32>} : memref<2048xf32, #tpu.memory_space<vmem>>, vector<16xf32>,
      tpu.vector_store %arg9[%swap3A_149], %bitcast_convert_type3A_126 {strides = array<i32>} : memref<2048xf32, #tpu.memory_space<vmem>>, vector<16xf32>,
      %swap3A_151 = arith.index_cast %mul3A_92 : i32 to index
      %swap3A_152 = tpu.vector_load %arg10[%swap3A_151] {strides = array<i32>} : memref<2048xf32, #tpu.memory_space<vmem>>, vector<16xf32>,
      tpu.vector_store %arg10[%swap3A_151], %bitcast_convert_type3A_141 {strides = array<i32>} : memref<2048xf32, #tpu.memory_space<vmem>>, vector<16xf32>,
      %swap3A_153 = arith.index_cast %mul3A_92 : i32 to index
      %swap3A_154 = tpu.vector_load %arg11[%swap3A_153] {strides = array<i32>} : memref<2048xf32, #tpu.memory_space<vmem>>, vector<16xf32>,
      tpu.vector_store %arg11[%swap3A_153], %add3A_146 {strides = array<i32>} : memref<2048xf32, #tpu.memory_space<vmem>>, vector<16xf32>,
      %scan3A_155 = arith.constant 0 : i32
      scf.yield %scan3A_155 : i32
    }
    %scan3A_44 = arith.constant 128 : i32
    %scan3A_45 = arith.constant 0 : i32
    %scan3A_46 = arith.constant 0 : i32
    %scan3A_47 = arith.constant 32 : i32
    %scan3A_48 = arith.addi %scan3A_46, %scan3A_47 : i32
    %scan3A_49 = arith.constant 1 : i32
    %scan3A_50 = scf.for %scan3A_89 = %scan3A_46 to %scan3A_48 step %scan3A_49 iter_args(%scan3A_90 = %scan3A_45) -> (i32)  : i32 {
      %mul3A_91 = arith.constant 16 : i32
      %mul3A_92 = arith.muli %scan3A_89, %mul3A_91 : i32
      %add3A_93 = arith.addi %mul3A_32, %mul3A_92 : i32
      %iota3A_94 = tpu.iota {dimensions = array<i32: 0>} : vector<16xi32>
      %add3A_95 = vector.broadcast %add3A_93 : i32 to vector<16xi32>
      %add3A_96 = arith.addi %add3A_95, %iota3A_94 : vector<16xi32>
      %gather3A = tpu.vector_load_idx %arg5[%add3A_96] : memref<2048xf32, #tpu.memory_space<vmem>>[vector<16xi32>], vector<16xf32>,
      %add3A_97 = arith.constant 1.590000e-01 : f32
      %add3A_98 = vector.broadcast %add3A_97 : f32 to vector<16xf32>
      %add3A_99 = arith.addf %gather3A, %add3A_98 : vector<16xf32>
      %broadcast_in_dim3A_100 = arith.constant 0 : i32
      %broadcast_in_dim3A_101 = vector.broadcast %broadcast_in_dim3A_100 : i32 to vector<16xi32>
      %add3A_102 = arith.constant 1023 : i32
      %add3A_103 = vector.broadcast %add3A_102 : i32 to vector<16xi32>
      %add3A_104 = arith.addi %broadcast_in_dim3A_101, %add3A_103 : vector<16xi32>
      %gather3A_105 = tpu.vector_load_idx %arg5[%add3A_104] : memref<2048xf32, #tpu.memory_space<vmem>>[vector<16xi32>], vector<16xf32>,
      %lt3A_106 = arith.cmpf olt, %gather3A_105, %add3A_99 : vector<16xf32>
      %jit3A_107 = arith.constant 1024 : i32
      %jit3A_108 = arith.constant 0 : i32
      %broadcast_in_dim3A_109 = vector.broadcast %jit3A_107 : i32 to vector<16xi32>
      %broadcast_in_dim3A_110 = vector.broadcast %jit3A_108 : i32 to vector<16xi32>
      %select_n3A_111 = arith.select %lt3A_106, %broadcast_in_dim3A_109, %broadcast_in_dim3A_110 : vector<16xi1>, vector<16xi32>
      %add3A_112 = arith.addi %broadcast_in_dim3A_101, %select_n3A_111 : vector<16xi32>
      %add3A_113 = arith.constant 511 : i32
      %add3A_114 = vector.broadcast %add3A_113 : i32 to vector<16xi32>
      %add3A_115 = arith.addi %add3A_112, %add3A_114 : vector<16xi32>
      %gather3A_116 = tpu.vector_load_idx %arg5[%add3A_115] : memref<2048xf32, #tpu.memory_space<vmem>>[vector<16xi32>], vector<16xf32>,
      %lt3A_117 = arith.cmpf olt, %gather3A_116, %add3A_99 : vector<16xf32>
      %jit3A_118 = arith.constant 512 : i32
      %jit3A_119 = arith.constant 0 : i32
      %broadcast_in_dim3A_120 = vector.broadcast %jit3A_118 : i32 to vector<16xi32>
      %broadcast_in_dim3A_121 = vector.broadcast %jit3A_119 : i32 to vector<16xi32>
      %select_n3A_122 = arith.select %lt3A_117, %broadcast_in_dim3A_120, %broadcast_in_dim3A_121 : vector<16xi1>, vector<16xi32>
      %add3A_123 = arith.addi %add3A_112, %select_n3A_122 : vector<16xi32>
      %add3A_124 = arith.constant 255 : i32
      %add3A_125 = vector.broadcast %add3A_124 : i32 to vector<16xi32>
      %add3A_126 = arith.addi %add3A_123, %add3A_125 : vector<16xi32>
      %gather3A_127 = tpu.vector_load_idx %arg5[%add3A_126] : memref<2048xf32, #tpu.memory_space<vmem>>[vector<16xi32>], vector<16xf32>,
      %lt3A_128 = arith.cmpf olt, %gather3A_127, %add3A_99 : vector<16xf32>
      %jit3A_129 = arith.constant 256 : i32
      %jit3A_130 = arith.constant 0 : i32
      %broadcast_in_dim3A_131 = vector.broadcast %jit3A_129 : i32 to vector<16xi32>
      %broadcast_in_dim3A_132 = vector.broadcast %jit3A_130 : i32 to vector<16xi32>
      %select_n3A_133 = arith.select %lt3A_128, %broadcast_in_dim3A_131, %broadcast_in_dim3A_132 : vector<16xi1>, vector<16xi32>
      %add3A_134 = arith.addi %add3A_123, %select_n3A_133 : vector<16xi32>
      %add3A_135 = arith.constant 127 : i32
      %add3A_136 = vector.broadcast %add3A_135 : i32 to vector<16xi32>
      %add3A_137 = arith.addi %add3A_134, %add3A_136 : vector<16xi32>
      %gather3A_138 = tpu.vector_load_idx %arg5[%add3A_137] : memref<2048xf32, #tpu.memory_space<vmem>>[vector<16xi32>], vector<16xf32>,
      %lt3A_139 = arith.cmpf olt, %gather3A_138, %add3A_99 : vector<16xf32>
      %jit3A_140 = arith.constant 128 : i32
      %jit3A_141 = arith.constant 0 : i32
      %broadcast_in_dim3A_142 = vector.broadcast %jit3A_140 : i32 to vector<16xi32>
      %broadcast_in_dim3A_143 = vector.broadcast %jit3A_141 : i32 to vector<16xi32>
      %select_n3A_144 = arith.select %lt3A_139, %broadcast_in_dim3A_142, %broadcast_in_dim3A_143 : vector<16xi1>, vector<16xi32>
      %add3A_145 = arith.addi %add3A_134, %select_n3A_144 : vector<16xi32>
      %add3A_146 = arith.constant 63 : i32
      %add3A_147 = vector.broadcast %add3A_146 : i32 to vector<16xi32>
      %add3A_148 = arith.addi %add3A_145, %add3A_147 : vector<16xi32>
      %gather3A_149 = tpu.vector_load_idx %arg5[%add3A_148] : memref<2048xf32, #tpu.memory_space<vmem>>[vector<16xi32>], vector<16xf32>,
      %lt3A_150 = arith.cmpf olt, %gather3A_149, %add3A_99 : vector<16xf32>
      %jit3A_151 = arith.constant 64 : i32
      %jit3A_152 = arith.constant 0 : i32
      %broadcast_in_dim3A_153 = vector.broadcast %jit3A_151 : i32 to vector<16xi32>
      %broadcast_in_dim3A_154 = vector.broadcast %jit3A_152 : i32 to vector<16xi32>
      %select_n3A_155 = arith.select %lt3A_150, %broadcast_in_dim3A_153, %broadcast_in_dim3A_154 : vector<16xi1>, vector<16xi32>
      %add3A_156 = arith.addi %add3A_145, %select_n3A_155 : vector<16xi32>
      %add3A_157 = arith.constant 31 : i32
      %add3A_158 = vector.broadcast %add3A_157 : i32 to vector<16xi32>
      %add3A_159 = arith.addi %add3A_156, %add3A_158 : vector<16xi32>
      %gather3A_160 = tpu.vector_load_idx %arg5[%add3A_159] : memref<2048xf32, #tpu.memory_space<vmem>>[vector<16xi32>], vector<16xf32>,
      %lt3A_161 = arith.cmpf olt, %gather3A_160, %add3A_99 : vector<16xf32>
      %jit3A_162 = arith.constant 32 : i32
      %jit3A_163 = arith.constant 0 : i32
      %broadcast_in_dim3A_164 = vector.broadcast %jit3A_162 : i32 to vector<16xi32>
      %broadcast_in_dim3A_165 = vector.broadcast %jit3A_163 : i32 to vector<16xi32>
      %select_n3A_166 = arith.select %lt3A_161, %broadcast_in_dim3A_164, %broadcast_in_dim3A_165 : vector<16xi1>, vector<16xi32>
      %add3A_167 = arith.addi %add3A_156, %select_n3A_166 : vector<16xi32>
      %add3A_168 = arith.constant 15 : i32
      %add3A_169 = vector.broadcast %add3A_168 : i32 to vector<16xi32>
      %add3A_170 = arith.addi %add3A_167, %add3A_169 : vector<16xi32>
      %gather3A_171 = tpu.vector_load_idx %arg5[%add3A_170] : memref<2048xf32, #tpu.memory_space<vmem>>[vector<16xi32>], vector<16xf32>,
      %lt3A_172 = arith.cmpf olt, %gather3A_171, %add3A_99 : vector<16xf32>
      %jit3A_173 = arith.constant 16 : i32
      %jit3A_174 = arith.constant 0 : i32
      %broadcast_in_dim3A_175 = vector.broadcast %jit3A_173 : i32 to vector<16xi32>
      %broadcast_in_dim3A_176 = vector.broadcast %jit3A_174 : i32 to vector<16xi32>
      %select_n3A_177 = arith.select %lt3A_172, %broadcast_in_dim3A_175, %broadcast_in_dim3A_176 : vector<16xi1>, vector<16xi32>
      %add3A_178 = arith.addi %add3A_167, %select_n3A_177 : vector<16xi32>
      %add3A_179 = arith.constant 7 : i32
      %add3A_180 = vector.broadcast %add3A_179 : i32 to vector<16xi32>
      %add3A_181 = arith.addi %add3A_178, %add3A_180 : vector<16xi32>
      %gather3A_182 = tpu.vector_load_idx %arg5[%add3A_181] : memref<2048xf32, #tpu.memory_space<vmem>>[vector<16xi32>], vector<16xf32>,
      %lt3A_183 = arith.cmpf olt, %gather3A_182, %add3A_99 : vector<16xf32>
      %jit3A_184 = arith.constant 8 : i32
      %jit3A_185 = arith.constant 0 : i32
      %broadcast_in_dim3A_186 = vector.broadcast %jit3A_184 : i32 to vector<16xi32>
      %broadcast_in_dim3A_187 = vector.broadcast %jit3A_185 : i32 to vector<16xi32>
      %select_n3A_188 = arith.select %lt3A_183, %broadcast_in_dim3A_186, %broadcast_in_dim3A_187 : vector<16xi1>, vector<16xi32>
      %add3A_189 = arith.addi %add3A_178, %select_n3A_188 : vector<16xi32>
      %add3A_190 = arith.constant 3 : i32
      %add3A_191 = vector.broadcast %add3A_190 : i32 to vector<16xi32>
      %add3A_192 = arith.addi %add3A_189, %add3A_191 : vector<16xi32>
      %gather3A_193 = tpu.vector_load_idx %arg5[%add3A_192] : memref<2048xf32, #tpu.memory_space<vmem>>[vector<16xi32>], vector<16xf32>,
      %lt3A_194 = arith.cmpf olt, %gather3A_193, %add3A_99 : vector<16xf32>
      %jit3A_195 = arith.constant 4 : i32
      %jit3A_196 = arith.constant 0 : i32
      %broadcast_in_dim3A_197 = vector.broadcast %jit3A_195 : i32 to vector<16xi32>
      %broadcast_in_dim3A_198 = vector.broadcast %jit3A_196 : i32 to vector<16xi32>
      %select_n3A_199 = arith.select %lt3A_194, %broadcast_in_dim3A_197, %broadcast_in_dim3A_198 : vector<16xi1>, vector<16xi32>
      %add3A_200 = arith.addi %add3A_189, %select_n3A_199 : vector<16xi32>
      %add3A_201 = arith.constant 1 : i32
      %add3A_202 = vector.broadcast %add3A_201 : i32 to vector<16xi32>
      %add3A_203 = arith.addi %add3A_200, %add3A_202 : vector<16xi32>
      %gather3A_204 = tpu.vector_load_idx %arg5[%add3A_203] : memref<2048xf32, #tpu.memory_space<vmem>>[vector<16xi32>], vector<16xf32>,
      %lt3A_205 = arith.cmpf olt, %gather3A_204, %add3A_99 : vector<16xf32>
      %jit3A_206 = arith.constant 2 : i32
      %jit3A_207 = arith.constant 0 : i32
      %broadcast_in_dim3A_208 = vector.broadcast %jit3A_206 : i32 to vector<16xi32>
      %broadcast_in_dim3A_209 = vector.broadcast %jit3A_207 : i32 to vector<16xi32>
      %select_n3A_210 = arith.select %lt3A_205, %broadcast_in_dim3A_208, %broadcast_in_dim3A_209 : vector<16xi1>, vector<16xi32>
      %add3A_211 = arith.addi %add3A_200, %select_n3A_210 : vector<16xi32>
      %add3A_212 = arith.constant 0 : i32
      %add3A_213 = vector.broadcast %add3A_212 : i32 to vector<16xi32>
      %add3A_214 = arith.addi %add3A_211, %add3A_213 : vector<16xi32>
      %gather3A_215 = tpu.vector_load_idx %arg5[%add3A_214] : memref<2048xf32, #tpu.memory_space<vmem>>[vector<16xi32>], vector<16xf32>,
      %lt3A_216 = arith.cmpf olt, %gather3A_215, %add3A_99 : vector<16xf32>
      %jit3A_217 = arith.constant 1 : i32
      %jit3A_218 = arith.constant 0 : i32
      %broadcast_in_dim3A_219 = vector.broadcast %jit3A_217 : i32 to vector<16xi32>
      %broadcast_in_dim3A_220 = vector.broadcast %jit3A_218 : i32 to vector<16xi32>
      %select_n3A_221 = arith.select %lt3A_216, %broadcast_in_dim3A_219, %broadcast_in_dim3A_220 : vector<16xi1>, vector<16xi32>
      %add3A_222 = arith.addi %add3A_211, %select_n3A_221 : vector<16xi32>
      %sub3A_223 = arith.subi %add3A_222, %add3A_96 : vector<16xi32>
      %add3A_224 = arith.constant 14 : i32
      %add3A_225 = vector.broadcast %add3A_224 : i32 to vector<16xi32>
      %add3A_226 = arith.addi %sub3A_223, %add3A_225 : vector<16xi32>
      %shift_right_logical3A_227 = arith.constant 4 : i32
      %shift_right_logical3A_228 = vector.broadcast %shift_right_logical3A_227 : i32 to vector<16xi32>
      %shift_right_logical3A_229 = arith.shrui %add3A_226, %shift_right_logical3A_228 : vector<16xi32>
      %mul3A_230 = arith.constant 16 : i32
      %mul3A_231 = arith.muli %scan3A_89, %mul3A_230 : i32
      %add3A_232 = arith.addi %mul3A_32, %mul3A_231 : i32
      %swap3A_233 = arith.index_cast %add3A_232 : i32 to index
      %swap3A_234 = tpu.vector_load %arg12[%swap3A_233] {strides = array<i32>} : memref<2048xi32, #tpu.memory_space<vmem>>, vector<16xi32>,
      tpu.vector_store %arg12[%swap3A_233], %shift_right_logical3A_229 {strides = array<i32>} : memref<2048xi32, #tpu.memory_space<vmem>>, vector<16xi32>,
      %scan3A_235 = arith.constant 0 : i32
      scf.yield %scan3A_235 : i32
    }
    %scan3A_51 = arith.constant 32 : i32
    %broadcast_in_dim3A = arith.constant 0.000000e+00 : f32
    %broadcast_in_dim3A_52 = vector.broadcast %broadcast_in_dim3A : f32 to vector<16xf32>
    %scan3A_53 = arith.constant 0 : i32
    %scan3A_54 = arith.constant 0 : i32
    %scan3A_55 = arith.constant 0 : i32
    %scan3A_56 = arith.constant 100 : i32
    %scan3A_57 = arith.addi %scan3A_55, %scan3A_56 : i32
    %scan3A_58 = arith.constant 1 : i32
    %scan3A_59:3 = scf.for %scan3A_89 = %scan3A_55 to %scan3A_57 step %scan3A_58 iter_args(%scan3A_90 = %scan3A_53, %scan3A_91 = %scan3A_54, %scan3A_92 = %broadcast_in_dim3A_52) -> (i32, i32, vector<16xf32>)  : i32 {
      %mul3A_93 = arith.constant 5 : i32
      %mul3A_94 = arith.muli %mul3A_93, %scan3A_89 : i32
      %add3A_95 = arith.addi %mul3A_32, %mul3A_94 : i32
      %add3A_96 = arith.constant 0 : i32
      %add3A_97 = arith.addi %add3A_95, %add3A_96 : i32
      %get3A = arith.index_cast %add3A_97 : i32 to index
      %get3A_98 = tpu.vector_load %arg8[%get3A] {strides = array<i32>} : memref<2048xf32, #tpu.memory_space<vmem>>, vector<16xf32>,
      %slice3A = vector.extract_strided_slice %get3A_98 {offsets = [0], sizes = [1], strides = [1]} : vector<16xf32> to vector<1xf32>
      %squeeze3A = vector.extract %slice3A[0] : f32 from vector<1xf32>
      %mul3A_99 = arith.constant 2.000000e+00 : f32
      %mul3A_100 = arith.mulf %squeeze3A, %mul3A_99 : f32
      %broadcast_in_dim3A_101 = vector.broadcast %mul3A_100 : f32 to vector<16xf32>
      %get3A_102 = arith.index_cast %add3A_97 : i32 to index
      %get3A_103 = tpu.vector_load %arg9[%get3A_102] {strides = array<i32>} : memref<2048xf32, #tpu.memory_space<vmem>>, vector<16xf32>,
      %slice3A_104 = vector.extract_strided_slice %get3A_103 {offsets = [0], sizes = [1], strides = [1]} : vector<16xf32> to vector<1xf32>
      %squeeze3A_105 = vector.extract %slice3A_104[0] : f32 from vector<1xf32>
      %mul3A_106 = arith.constant 2.000000e+00 : f32
      %mul3A_107 = arith.mulf %squeeze3A_105, %mul3A_106 : f32
      %broadcast_in_dim3A_108 = vector.broadcast %mul3A_107 : f32 to vector<16xf32>
      %get3A_109 = arith.index_cast %add3A_97 : i32 to index
      %get3A_110 = tpu.vector_load %arg10[%get3A_109] {strides = array<i32>} : memref<2048xf32, #tpu.memory_space<vmem>>, vector<16xf32>,
      %slice3A_111 = vector.extract_strided_slice %get3A_110 {offsets = [0], sizes = [1], strides = [1]} : vector<16xf32> to vector<1xf32>
      %squeeze3A_112 = vector.extract %slice3A_111[0] : f32 from vector<1xf32>
      %mul3A_113 = arith.constant 2.000000e+00 : f32
      %mul3A_114 = arith.mulf %squeeze3A_112, %mul3A_113 : f32
      %broadcast_in_dim3A_115 = vector.broadcast %mul3A_114 : f32 to vector<16xf32>
      %get3A_116 = arith.index_cast %add3A_97 : i32 to index
      %get3A_117 = tpu.vector_load %arg11[%get3A_116] {strides = array<i32>} : memref<2048xf32, #tpu.memory_space<vmem>>, vector<16xf32>,
      %slice3A_118 = vector.extract_strided_slice %get3A_117 {offsets = [0], sizes = [1], strides = [1]} : vector<16xf32> to vector<1xf32>
      %squeeze3A_119 = vector.extract %slice3A_118[0] : f32 from vector<1xf32>
      %broadcast_in_dim3A_120 = vector.broadcast %squeeze3A_119 : f32 to vector<16xf32>
      %broadcast_in_dim3A_121 = vector.broadcast %add3A_97 : i32 to vector<16xi32>
      %get3A_122 = arith.index_cast %add3A_97 : i32 to index
      %get3A_123 = tpu.vector_load %arg12[%get3A_122] {strides = array<i32>} : memref<2048xi32, #tpu.memory_space<vmem>>, vector<16xi32>,
      %slice3A_124 = vector.extract_strided_slice %get3A_123 {offsets = [0], sizes = [1], strides = [1]} : vector<16xi32> to vector<1xi32>
      %squeeze3A_125 = vector.extract %slice3A_124[0] : i32 from vector<1xi32>
      %add3A_126 = arith.constant 1 : i32
      %add3A_127 = arith.addi %add3A_95, %add3A_126 : i32
      %get3A_128 = arith.index_cast %add3A_127 : i32 to index
      %get3A_129 = tpu.vector_load %arg8[%get3A_128] {strides = array<i32>} : memref<2048xf32, #tpu.memory_space<vmem>>, vector<16xf32>,
      %slice3A_130 = vector.extract_strided_slice %get3A_129 {offsets = [0], sizes = [1], strides = [1]} : vector<16xf32> to vector<1xf32>
      %squeeze3A_131 = vector.extract %slice3A_130[0] : f32 from vector<1xf32>
      %mul3A_132 = arith.constant 2.000000e+00 : f32
      %mul3A_133 = arith.mulf %squeeze3A_131, %mul3A_132 : f32
      %broadcast_in_dim3A_134 = vector.broadcast %mul3A_133 : f32 to vector<16xf32>
      %get3A_135 = arith.index_cast %add3A_127 : i32 to index
      %get3A_136 = tpu.vector_load %arg9[%get3A_135] {strides = array<i32>} : memref<2048xf32, #tpu.memory_space<vmem>>, vector<16xf32>,
      %slice3A_137 = vector.extract_strided_slice %get3A_136 {offsets = [0], sizes = [1], strides = [1]} : vector<16xf32> to vector<1xf32>
      %squeeze3A_138 = vector.extract %slice3A_137[0] : f32 from vector<1xf32>
      %mul3A_139 = arith.constant 2.000000e+00 : f32
      %mul3A_140 = arith.mulf %squeeze3A_138, %mul3A_139 : f32
      %broadcast_in_dim3A_141 = vector.broadcast %mul3A_140 : f32 to vector<16xf32>
      %get3A_142 = arith.index_cast %add3A_127 : i32 to index
      %get3A_143 = tpu.vector_load %arg10[%get3A_142] {strides = array<i32>} : memref<2048xf32, #tpu.memory_space<vmem>>, vector<16xf32>,
      %slice3A_144 = vector.extract_strided_slice %get3A_143 {offsets = [0], sizes = [1], strides = [1]} : vector<16xf32> to vector<1xf32>
      %squeeze3A_145 = vector.extract %slice3A_144[0] : f32 from vector<1xf32>
      %mul3A_146 = arith.constant 2.000000e+00 : f32
      %mul3A_147 = arith.mulf %squeeze3A_145, %mul3A_146 : f32
      %broadcast_in_dim3A_148 = vector.broadcast %mul3A_147 : f32 to vector<16xf32>
      %get3A_149 = arith.index_cast %add3A_127 : i32 to index
      %get3A_150 = tpu.vector_load %arg11[%get3A_149] {strides = array<i32>} : memref<2048xf32, #tpu.memory_space<vmem>>, vector<16xf32>,
      %slice3A_151 = vector.extract_strided_slice %get3A_150 {offsets = [0], sizes = [1], strides = [1]} : vector<16xf32> to vector<1xf32>
      %squeeze3A_152 = vector.extract %slice3A_151[0] : f32 from vector<1xf32>
      %broadcast_in_dim3A_153 = vector.broadcast %squeeze3A_152 : f32 to vector<16xf32>
      %broadcast_in_dim3A_154 = vector.broadcast %add3A_127 : i32 to vector<16xi32>
      %get3A_155 = arith.index_cast %add3A_127 : i32 to index
      %get3A_156 = tpu.vector_load %arg12[%get3A_155] {strides = array<i32>} : memref<2048xi32, #tpu.memory_space<vmem>>, vector<16xi32>,
      %slice3A_157 = vector.extract_strided_slice %get3A_156 {offsets = [0], sizes = [1], strides = [1]} : vector<16xi32> to vector<1xi32>
      %squeeze3A_158 = vector.extract %slice3A_157[0] : i32 from vector<1xi32>
      %add3A_159 = arith.constant 2 : i32
      %add3A_160 = arith.addi %add3A_95, %add3A_159 : i32
      %get3A_161 = arith.index_cast %add3A_160 : i32 to index
      %get3A_162 = tpu.vector_load %arg8[%get3A_161] {strides = array<i32>} : memref<2048xf32, #tpu.memory_space<vmem>>, vector<16xf32>,
      %slice3A_163 = vector.extract_strided_slice %get3A_162 {offsets = [0], sizes = [1], strides = [1]} : vector<16xf32> to vector<1xf32>
      %squeeze3A_164 = vector.extract %slice3A_163[0] : f32 from vector<1xf32>
      %mul3A_165 = arith.constant 2.000000e+00 : f32
      %mul3A_166 = arith.mulf %squeeze3A_164, %mul3A_165 : f32
      %broadcast_in_dim3A_167 = vector.broadcast %mul3A_166 : f32 to vector<16xf32>
      %get3A_168 = arith.index_cast %add3A_160 : i32 to index
      %get3A_169 = tpu.vector_load %arg9[%get3A_168] {strides = array<i32>} : memref<2048xf32, #tpu.memory_space<vmem>>, vector<16xf32>,
      %slice3A_170 = vector.extract_strided_slice %get3A_169 {offsets = [0], sizes = [1], strides = [1]} : vector<16xf32> to vector<1xf32>
      %squeeze3A_171 = vector.extract %slice3A_170[0] : f32 from vector<1xf32>
      %mul3A_172 = arith.constant 2.000000e+00 : f32
      %mul3A_173 = arith.mulf %squeeze3A_171, %mul3A_172 : f32
      %broadcast_in_dim3A_174 = vector.broadcast %mul3A_173 : f32 to vector<16xf32>
      %get3A_175 = arith.index_cast %add3A_160 : i32 to index
      %get3A_176 = tpu.vector_load %arg10[%get3A_175] {strides = array<i32>} : memref<2048xf32, #tpu.memory_space<vmem>>, vector<16xf32>,
      %slice3A_177 = vector.extract_strided_slice %get3A_176 {offsets = [0], sizes = [1], strides = [1]} : vector<16xf32> to vector<1xf32>
      %squeeze3A_178 = vector.extract %slice3A_177[0] : f32 from vector<1xf32>
      %mul3A_179 = arith.constant 2.000000e+00 : f32
      %mul3A_180 = arith.mulf %squeeze3A_178, %mul3A_179 : f32
      %broadcast_in_dim3A_181 = vector.broadcast %mul3A_180 : f32 to vector<16xf32>
      %get3A_182 = arith.index_cast %add3A_160 : i32 to index
      %get3A_183 = tpu.vector_load %arg11[%get3A_182] {strides = array<i32>} : memref<2048xf32, #tpu.memory_space<vmem>>, vector<16xf32>,
      %slice3A_184 = vector.extract_strided_slice %get3A_183 {offsets = [0], sizes = [1], strides = [1]} : vector<16xf32> to vector<1xf32>
      %squeeze3A_185 = vector.extract %slice3A_184[0] : f32 from vector<1xf32>
      %broadcast_in_dim3A_186 = vector.broadcast %squeeze3A_185 : f32 to vector<16xf32>
      %broadcast_in_dim3A_187 = vector.broadcast %add3A_160 : i32 to vector<16xi32>
      %get3A_188 = arith.index_cast %add3A_160 : i32 to index
      %get3A_189 = tpu.vector_load %arg12[%get3A_188] {strides = array<i32>} : memref<2048xi32, #tpu.memory_space<vmem>>, vector<16xi32>,
      %slice3A_190 = vector.extract_strided_slice %get3A_189 {offsets = [0], sizes = [1], strides = [1]} : vector<16xi32> to vector<1xi32>
      %squeeze3A_191 = vector.extract %slice3A_190[0] : i32 from vector<1xi32>
      %add3A_192 = arith.constant 3 : i32
      %add3A_193 = arith.addi %add3A_95, %add3A_192 : i32
      %get3A_194 = arith.index_cast %add3A_193 : i32 to index
      %get3A_195 = tpu.vector_load %arg8[%get3A_194] {strides = array<i32>} : memref<2048xf32, #tpu.memory_space<vmem>>, vector<16xf32>,
      %slice3A_196 = vector.extract_strided_slice %get3A_195 {offsets = [0], sizes = [1], strides = [1]} : vector<16xf32> to vector<1xf32>
      %squeeze3A_197 = vector.extract %slice3A_196[0] : f32 from vector<1xf32>
      %mul3A_198 = arith.constant 2.000000e+00 : f32
      %mul3A_199 = arith.mulf %squeeze3A_197, %mul3A_198 : f32
      %broadcast_in_dim3A_200 = vector.broadcast %mul3A_199 : f32 to vector<16xf32>
      %get3A_201 = arith.index_cast %add3A_193 : i32 to index
      %get3A_202 = tpu.vector_load %arg9[%get3A_201] {strides = array<i32>} : memref<2048xf32, #tpu.memory_space<vmem>>, vector<16xf32>,
      %slice3A_203 = vector.extract_strided_slice %get3A_202 {offsets = [0], sizes = [1], strides = [1]} : vector<16xf32> to vector<1xf32>
      %squeeze3A_204 = vector.extract %slice3A_203[0] : f32 from vector<1xf32>
      %mul3A_205 = arith.constant 2.000000e+00 : f32
      %mul3A_206 = arith.mulf %squeeze3A_204, %mul3A_205 : f32
      %broadcast_in_dim3A_207 = vector.broadcast %mul3A_206 : f32 to vector<16xf32>
      %get3A_208 = arith.index_cast %add3A_193 : i32 to index
      %get3A_209 = tpu.vector_load %arg10[%get3A_208] {strides = array<i32>} : memref<2048xf32, #tpu.memory_space<vmem>>, vector<16xf32>,
      %slice3A_210 = vector.extract_strided_slice %get3A_209 {offsets = [0], sizes = [1], strides = [1]} : vector<16xf32> to vector<1xf32>
      %squeeze3A_211 = vector.extract %slice3A_210[0] : f32 from vector<1xf32>
      %mul3A_212 = arith.constant 2.000000e+00 : f32
      %mul3A_213 = arith.mulf %squeeze3A_211, %mul3A_212 : f32
      %broadcast_in_dim3A_214 = vector.broadcast %mul3A_213 : f32 to vector<16xf32>
      %get3A_215 = arith.index_cast %add3A_193 : i32 to index
      %get3A_216 = tpu.vector_load %arg11[%get3A_215] {strides = array<i32>} : memref<2048xf32, #tpu.memory_space<vmem>>, vector<16xf32>,
      %slice3A_217 = vector.extract_strided_slice %get3A_216 {offsets = [0], sizes = [1], strides = [1]} : vector<16xf32> to vector<1xf32>
      %squeeze3A_218 = vector.extract %slice3A_217[0] : f32 from vector<1xf32>
      %broadcast_in_dim3A_219 = vector.broadcast %squeeze3A_218 : f32 to vector<16xf32>
      %broadcast_in_dim3A_220 = vector.broadcast %add3A_193 : i32 to vector<16xi32>
      %get3A_221 = arith.index_cast %add3A_193 : i32 to index
      %get3A_222 = tpu.vector_load %arg12[%get3A_221] {strides = array<i32>} : memref<2048xi32, #tpu.memory_space<vmem>>, vector<16xi32>,
      %slice3A_223 = vector.extract_strided_slice %get3A_222 {offsets = [0], sizes = [1], strides = [1]} : vector<16xi32> to vector<1xi32>
      %squeeze3A_224 = vector.extract %slice3A_223[0] : i32 from vector<1xi32>
      %add3A_225 = arith.constant 4 : i32
      %add3A_226 = arith.addi %add3A_95, %add3A_225 : i32
      %get3A_227 = arith.index_cast %add3A_226 : i32 to index
      %get3A_228 = tpu.vector_load %arg8[%get3A_227] {strides = array<i32>} : memref<2048xf32, #tpu.memory_space<vmem>>, vector<16xf32>,
      %slice3A_229 = vector.extract_strided_slice %get3A_228 {offsets = [0], sizes = [1], strides = [1]} : vector<16xf32> to vector<1xf32>
      %squeeze3A_230 = vector.extract %slice3A_229[0] : f32 from vector<1xf32>
      %mul3A_231 = arith.constant 2.000000e+00 : f32
      %mul3A_232 = arith.mulf %squeeze3A_230, %mul3A_231 : f32
      %broadcast_in_dim3A_233 = vector.broadcast %mul3A_232 : f32 to vector<16xf32>
      %get3A_234 = arith.index_cast %add3A_226 : i32 to index
      %get3A_235 = tpu.vector_load %arg9[%get3A_234] {strides = array<i32>} : memref<2048xf32, #tpu.memory_space<vmem>>, vector<16xf32>,
      %slice3A_236 = vector.extract_strided_slice %get3A_235 {offsets = [0], sizes = [1], strides = [1]} : vector<16xf32> to vector<1xf32>
      %squeeze3A_237 = vector.extract %slice3A_236[0] : f32 from vector<1xf32>
      %mul3A_238 = arith.constant 2.000000e+00 : f32
      %mul3A_239 = arith.mulf %squeeze3A_237, %mul3A_238 : f32
      %broadcast_in_dim3A_240 = vector.broadcast %mul3A_239 : f32 to vector<16xf32>
      %get3A_241 = arith.index_cast %add3A_226 : i32 to index
      %get3A_242 = tpu.vector_load %arg10[%get3A_241] {strides = array<i32>} : memref<2048xf32, #tpu.memory_space<vmem>>, vector<16xf32>,
      %slice3A_243 = vector.extract_strided_slice %get3A_242 {offsets = [0], sizes = [1], strides = [1]} : vector<16xf32> to vector<1xf32>
      %squeeze3A_244 = vector.extract %slice3A_243[0] : f32 from vector<1xf32>
      %mul3A_245 = arith.constant 2.000000e+00 : f32
      %mul3A_246 = arith.mulf %squeeze3A_244, %mul3A_245 : f32
      %broadcast_in_dim3A_247 = vector.broadcast %mul3A_246 : f32 to vector<16xf32>
      %get3A_248 = arith.index_cast %add3A_226 : i32 to index
      %get3A_249 = tpu.vector_load %arg11[%get3A_248] {strides = array<i32>} : memref<2048xf32, #tpu.memory_space<vmem>>, vector<16xf32>,
      %slice3A_250 = vector.extract_strided_slice %get3A_249 {offsets = [0], sizes = [1], strides = [1]} : vector<16xf32> to vector<1xf32>
      %squeeze3A_251 = vector.extract %slice3A_250[0] : f32 from vector<1xf32>
      %broadcast_in_dim3A_252 = vector.broadcast %squeeze3A_251 : f32 to vector<16xf32>
      %broadcast_in_dim3A_253 = vector.broadcast %add3A_226 : i32 to vector<16xi32>
      %get3A_254 = arith.index_cast %add3A_226 : i32 to index
      %get3A_255 = tpu.vector_load %arg12[%get3A_254] {strides = array<i32>} : memref<2048xi32, #tpu.memory_space<vmem>>, vector<16xi32>,
      %slice3A_256 = vector.extract_strided_slice %get3A_255 {offsets = [0], sizes = [1], strides = [1]} : vector<16xi32> to vector<1xi32>
      %squeeze3A_257 = vector.extract %slice3A_256[0] : i32 from vector<1xi32>
      %add3A_258 = arith.constant 1 : i32
      %add3A_259 = arith.addi %add3A_95, %add3A_258 : i32
      %add3A_260 = arith.constant 1 : i32
      %add3A_261 = arith.addi %add3A_95, %add3A_260 : i32
      %mul3A_262 = arith.constant 16 : i32
      %mul3A_263 = arith.muli %squeeze3A_125, %mul3A_262 : i32
      %add3A_264 = arith.addi %add3A_261, %mul3A_263 : i32
      %add3A_265 = arith.constant 1 : i32
      %add3A_266 = arith.addi %add3A_95, %add3A_265 : i32
      %add3A_267 = arith.constant 1 : i32
      %add3A_268 = arith.addi %add3A_266, %add3A_267 : i32
      %mul3A_269 = arith.constant 16 : i32
      %mul3A_270 = arith.muli %squeeze3A_158, %mul3A_269 : i32
      %add3A_271 = arith.addi %add3A_268, %mul3A_270 : i32
      %max3A = arith.maxsi %add3A_264, %add3A_271 : i32
      %add3A_272 = arith.constant 2 : i32
      %add3A_273 = arith.addi %add3A_95, %add3A_272 : i32
      %add3A_274 = arith.constant 1 : i32
      %add3A_275 = arith.addi %add3A_273, %add3A_274 : i32
      %mul3A_276 = arith.constant 16 : i32
      %mul3A_277 = arith.muli %squeeze3A_191, %mul3A_276 : i32
      %add3A_278 = arith.addi %add3A_275, %mul3A_277 : i32
      %max3A_279 = arith.maxsi %max3A, %add3A_278 : i32
      %add3A_280 = arith.constant 3 : i32
      %add3A_281 = arith.addi %add3A_95, %add3A_280 : i32
      %add3A_282 = arith.constant 1 : i32
      %add3A_283 = arith.addi %add3A_281, %add3A_282 : i32
      %mul3A_284 = arith.constant 16 : i32
      %mul3A_285 = arith.muli %squeeze3A_224, %mul3A_284 : i32
      %add3A_286 = arith.addi %add3A_283, %mul3A_285 : i32
      %max3A_287 = arith.maxsi %max3A_279, %add3A_286 : i32
      %add3A_288 = arith.constant 4 : i32
      %add3A_289 = arith.addi %add3A_95, %add3A_288 : i32
      %add3A_290 = arith.constant 1 : i32
      %add3A_291 = arith.addi %add3A_289, %add3A_290 : i32
      %mul3A_292 = arith.constant 16 : i32
      %mul3A_293 = arith.muli %squeeze3A_257, %mul3A_292 : i32
      %add3A_294 = arith.addi %add3A_291, %mul3A_293 : i32
      %max3A_295 = arith.maxsi %max3A_287, %add3A_294 : i32
      %sub3A_296 = arith.subi %max3A_295, %add3A_259 : i32
      %add3A_297 = arith.constant 15 : i32
      %add3A_298 = arith.addi %sub3A_296, %add3A_297 : i32
      %shift_right_logical3A_299 = arith.constant 4 : i32
      %shift_right_logical3A_300 = arith.shrui %add3A_298, %shift_right_logical3A_299 : i32
      %parallel_loop3A = arith.constant 0 : i32
      %parallel_loop3A_301 = arith.constant 1 : i32
      %parallel_loop3A_302 = scf.for %parallel_loop3A_306 = %parallel_loop3A to %shift_right_logical3A_300 step %parallel_loop3A_301 iter_args(%parallel_loop3A_307 = %scan3A_90) -> (i32)  : i32 {
        %parallel_loop3A_308 = arith.constant 16 : i32
        %parallel_loop3A_309 = arith.muli %parallel_loop3A_306, %parallel_loop3A_308 : i32
        %parallel_loop3A_310 = arith.addi %add3A_259, %parallel_loop3A_309 : i32
        %parallel_loop3A_311 = tpu.iota {dimensions = array<i32: 0>} : vector<16xi32>
        %parallel_loop3A_312 = vector.broadcast %parallel_loop3A_310 : i32 to vector<16xi32>
        %parallel_loop3A_313 = arith.addi %parallel_loop3A_312, %parallel_loop3A_311 : vector<16xi32>
        %parallel_loop3A_314 = tpu.vector_load_idx %arg8[%parallel_loop3A_313] : memref<2048xf32, #tpu.memory_space<vmem>>[vector<16xi32>], vector<16xf32>,
        %parallel_loop3A_315 = tpu.vector_load_idx %arg9[%parallel_loop3A_313] : memref<2048xf32, #tpu.memory_space<vmem>>[vector<16xi32>], vector<16xf32>,
        %parallel_loop3A_316 = tpu.vector_load_idx %arg10[%parallel_loop3A_313] : memref<2048xf32, #tpu.memory_space<vmem>>[vector<16xi32>], vector<16xf32>,
        %parallel_loop3A_317 = tpu.vector_load_idx %arg11[%parallel_loop3A_313] : memref<2048xf32, #tpu.memory_space<vmem>>[vector<16xi32>], vector<16xf32>,
        %parallel_loop3A_318 = arith.addf %broadcast_in_dim3A_120, %parallel_loop3A_317 : vector<16xf32>
        %parallel_loop3A_319 = arith.mulf %broadcast_in_dim3A_101, %parallel_loop3A_314 : vector<16xf32>
        %parallel_loop3A_320 = arith.mulf %broadcast_in_dim3A_108, %parallel_loop3A_315 : vector<16xf32>
        %parallel_loop3A_321 = arith.addf %parallel_loop3A_319, %parallel_loop3A_320 : vector<16xf32>
        %parallel_loop3A_322 = arith.mulf %broadcast_in_dim3A_115, %parallel_loop3A_316 : vector<16xf32>
        %parallel_loop3A_323 = arith.addf %parallel_loop3A_321, %parallel_loop3A_322 : vector<16xf32>
        %parallel_loop3A_324 = arith.subf %parallel_loop3A_318, %parallel_loop3A_323 : vector<16xf32>
        %parallel_loop3A_325 = arith.constant 1.600000e-03 : f32
        %parallel_loop3A_326 = vector.broadcast %parallel_loop3A_325 : f32 to vector<16xf32>
        %parallel_loop3A_327 = arith.cmpf olt, %parallel_loop3A_324, %parallel_loop3A_326 : vector<16xf32>
        %parallel_loop3A_328 = arith.index_cast %parallel_loop3A_307 : i32 to index
        %parallel_loop3A_329 = tpu.vector_load %arg13[%parallel_loop3A_328] masked %parallel_loop3A_327 {strides = array<i32>} : memref<14336xf32, #tpu.memory_space<vmem>>, vector<16xf32>, vector<16xi1>
        tpu.vector_store %arg13[%parallel_loop3A_328], %parallel_loop3A_324 masked %parallel_loop3A_327 {strides = array<i32>} : memref<14336xf32, #tpu.memory_space<vmem>>, vector<16xf32>, vector<16xi1>
        %parallel_loop3A_330 = tpu.all_reduce %parallel_loop3A_327 {dim = 0 : i64, kind = #tpu.reduction_kind<sum>} : vector<16xi1> -> vector<16xi32>
        %parallel_loop3A_331 = vector.extract_strided_slice %parallel_loop3A_330 {offsets = [0], sizes = [1], strides = [1]} : vector<16xi32> to vector<1xi32>
        %parallel_loop3A_332 = vector.extract %parallel_loop3A_331[0] : i32 from vector<1xi32>
        %parallel_loop3A_333 = arith.addi %parallel_loop3A_307, %parallel_loop3A_332 : i32
        %parallel_loop3A_334 = arith.addf %broadcast_in_dim3A_153, %parallel_loop3A_317 : vector<16xf32>
        %parallel_loop3A_335 = arith.mulf %broadcast_in_dim3A_134, %parallel_loop3A_314 : vector<16xf32>
        %parallel_loop3A_336 = arith.mulf %broadcast_in_dim3A_141, %parallel_loop3A_315 : vector<16xf32>
        %parallel_loop3A_337 = arith.addf %parallel_loop3A_335, %parallel_loop3A_336 : vector<16xf32>
        %parallel_loop3A_338 = arith.mulf %broadcast_in_dim3A_148, %parallel_loop3A_316 : vector<16xf32>
        %parallel_loop3A_339 = arith.addf %parallel_loop3A_337, %parallel_loop3A_338 : vector<16xf32>
        %parallel_loop3A_340 = arith.subf %parallel_loop3A_334, %parallel_loop3A_339 : vector<16xf32>
        %parallel_loop3A_341 = arith.constant 1.600000e-03 : f32
        %parallel_loop3A_342 = vector.broadcast %parallel_loop3A_341 : f32 to vector<16xf32>
        %parallel_loop3A_343 = arith.cmpf olt, %parallel_loop3A_340, %parallel_loop3A_342 : vector<16xf32>
        %parallel_loop3A_344 = arith.cmpi sgt, %parallel_loop3A_313, %broadcast_in_dim3A_154 : vector<16xi32>
        %parallel_loop3A_345 = arith.andi %parallel_loop3A_343, %parallel_loop3A_344 : vector<16xi1>
        %parallel_loop3A_346 = arith.index_cast %parallel_loop3A_333 : i32 to index
        %parallel_loop3A_347 = tpu.vector_load %arg13[%parallel_loop3A_346] masked %parallel_loop3A_345 {strides = array<i32>} : memref<14336xf32, #tpu.memory_space<vmem>>, vector<16xf32>, vector<16xi1>
        tpu.vector_store %arg13[%parallel_loop3A_346], %parallel_loop3A_340 masked %parallel_loop3A_345 {strides = array<i32>} : memref<14336xf32, #tpu.memory_space<vmem>>, vector<16xf32>, vector<16xi1>
        %parallel_loop3A_348 = tpu.all_reduce %parallel_loop3A_345 {dim = 0 : i64, kind = #tpu.reduction_kind<sum>} : vector<16xi1> -> vector<16xi32>
        %parallel_loop3A_349 = vector.extract_strided_slice %parallel_loop3A_348 {offsets = [0], sizes = [1], strides = [1]} : vector<16xi32> to vector<1xi32>
        %parallel_loop3A_350 = vector.extract %parallel_loop3A_349[0] : i32 from vector<1xi32>
        %parallel_loop3A_351 = arith.addi %parallel_loop3A_333, %parallel_loop3A_350 : i32
        %parallel_loop3A_352 = arith.addf %broadcast_in_dim3A_186, %parallel_loop3A_317 : vector<16xf32>
        %parallel_loop3A_353 = arith.mulf %broadcast_in_dim3A_167, %parallel_loop3A_314 : vector<16xf32>
        %parallel_loop3A_354 = arith.mulf %broadcast_in_dim3A_174, %parallel_loop3A_315 : vector<16xf32>
        %parallel_loop3A_355 = arith.addf %parallel_loop3A_353, %parallel_loop3A_354 : vector<16xf32>
        %parallel_loop3A_356 = arith.mulf %broadcast_in_dim3A_181, %parallel_loop3A_316 : vector<16xf32>
        %parallel_loop3A_357 = arith.addf %parallel_loop3A_355, %parallel_loop3A_356 : vector<16xf32>
        %parallel_loop3A_358 = arith.subf %parallel_loop3A_352, %parallel_loop3A_357 : vector<16xf32>
        %parallel_loop3A_359 = arith.constant 1.600000e-03 : f32
        %parallel_loop3A_360 = vector.broadcast %parallel_loop3A_359 : f32 to vector<16xf32>
        %parallel_loop3A_361 = arith.cmpf olt, %parallel_loop3A_358, %parallel_loop3A_360 : vector<16xf32>
        %parallel_loop3A_362 = arith.cmpi sgt, %parallel_loop3A_313, %broadcast_in_dim3A_187 : vector<16xi32>
        %parallel_loop3A_363 = arith.andi %parallel_loop3A_361, %parallel_loop3A_362 : vector<16xi1>
        %parallel_loop3A_364 = arith.index_cast %parallel_loop3A_351 : i32 to index
        %parallel_loop3A_365 = tpu.vector_load %arg13[%parallel_loop3A_364] masked %parallel_loop3A_363 {strides = array<i32>} : memref<14336xf32, #tpu.memory_space<vmem>>, vector<16xf32>, vector<16xi1>
        tpu.vector_store %arg13[%parallel_loop3A_364], %parallel_loop3A_358 masked %parallel_loop3A_363 {strides = array<i32>} : memref<14336xf32, #tpu.memory_space<vmem>>, vector<16xf32>, vector<16xi1>
        %parallel_loop3A_366 = tpu.all_reduce %parallel_loop3A_363 {dim = 0 : i64, kind = #tpu.reduction_kind<sum>} : vector<16xi1> -> vector<16xi32>
        %parallel_loop3A_367 = vector.extract_strided_slice %parallel_loop3A_366 {offsets = [0], sizes = [1], strides = [1]} : vector<16xi32> to vector<1xi32>
        %parallel_loop3A_368 = vector.extract %parallel_loop3A_367[0] : i32 from vector<1xi32>
        %parallel_loop3A_369 = arith.addi %parallel_loop3A_351, %parallel_loop3A_368 : i32
        %parallel_loop3A_370 = arith.addf %broadcast_in_dim3A_219, %parallel_loop3A_317 : vector<16xf32>
        %parallel_loop3A_371 = arith.mulf %broadcast_in_dim3A_200, %parallel_loop3A_314 : vector<16xf32>
        %parallel_loop3A_372 = arith.mulf %broadcast_in_dim3A_207, %parallel_loop3A_315 : vector<16xf32>
        %parallel_loop3A_373 = arith.addf %parallel_loop3A_371, %parallel_loop3A_372 : vector<16xf32>
        %parallel_loop3A_374 = arith.mulf %broadcast_in_dim3A_214, %parallel_loop3A_316 : vector<16xf32>
        %parallel_loop3A_375 = arith.addf %parallel_loop3A_373, %parallel_loop3A_374 : vector<16xf32>
        %parallel_loop3A_376 = arith.subf %parallel_loop3A_370, %parallel_loop3A_375 : vector<16xf32>
        %parallel_loop3A_377 = arith.constant 1.600000e-03 : f32
        %parallel_loop3A_378 = vector.broadcast %parallel_loop3A_377 : f32 to vector<16xf32>
        %parallel_loop3A_379 = arith.cmpf olt, %parallel_loop3A_376, %parallel_loop3A_378 : vector<16xf32>
        %parallel_loop3A_380 = arith.cmpi sgt, %parallel_loop3A_313, %broadcast_in_dim3A_220 : vector<16xi32>
        %parallel_loop3A_381 = arith.andi %parallel_loop3A_379, %parallel_loop3A_380 : vector<16xi1>
        %parallel_loop3A_382 = arith.index_cast %parallel_loop3A_369 : i32 to index
        %parallel_loop3A_383 = tpu.vector_load %arg13[%parallel_loop3A_382] masked %parallel_loop3A_381 {strides = array<i32>} : memref<14336xf32, #tpu.memory_space<vmem>>, vector<16xf32>, vector<16xi1>
        tpu.vector_store %arg13[%parallel_loop3A_382], %parallel_loop3A_376 masked %parallel_loop3A_381 {strides = array<i32>} : memref<14336xf32, #tpu.memory_space<vmem>>, vector<16xf32>, vector<16xi1>
        %parallel_loop3A_384 = tpu.all_reduce %parallel_loop3A_381 {dim = 0 : i64, kind = #tpu.reduction_kind<sum>} : vector<16xi1> -> vector<16xi32>
        %parallel_loop3A_385 = vector.extract_strided_slice %parallel_loop3A_384 {offsets = [0], sizes = [1], strides = [1]} : vector<16xi32> to vector<1xi32>
        %parallel_loop3A_386 = vector.extract %parallel_loop3A_385[0] : i32 from vector<1xi32>
        %parallel_loop3A_387 = arith.addi %parallel_loop3A_369, %parallel_loop3A_386 : i32
        %parallel_loop3A_388 = arith.addf %broadcast_in_dim3A_252, %parallel_loop3A_317 : vector<16xf32>
        %parallel_loop3A_389 = arith.mulf %broadcast_in_dim3A_233, %parallel_loop3A_314 : vector<16xf32>
        %parallel_loop3A_390 = arith.mulf %broadcast_in_dim3A_240, %parallel_loop3A_315 : vector<16xf32>
        %parallel_loop3A_391 = arith.addf %parallel_loop3A_389, %parallel_loop3A_390 : vector<16xf32>
        %parallel_loop3A_392 = arith.mulf %broadcast_in_dim3A_247, %parallel_loop3A_316 : vector<16xf32>
        %parallel_loop3A_393 = arith.addf %parallel_loop3A_391, %parallel_loop3A_392 : vector<16xf32>
        %parallel_loop3A_394 = arith.subf %parallel_loop3A_388, %parallel_loop3A_393 : vector<16xf32>
        %parallel_loop3A_395 = arith.constant 1.600000e-03 : f32
        %parallel_loop3A_396 = vector.broadcast %parallel_loop3A_395 : f32 to vector<16xf32>
        %parallel_loop3A_397 = arith.cmpf olt, %parallel_loop3A_394, %parallel_loop3A_396 : vector<16xf32>
        %parallel_loop3A_398 = arith.cmpi sgt, %parallel_loop3A_313, %broadcast_in_dim3A_253 : vector<16xi32>
        %parallel_loop3A_399 = arith.andi %parallel_loop3A_397, %parallel_loop3A_398 : vector<16xi1>
        %parallel_loop3A_400 = arith.index_cast %parallel_loop3A_387 : i32 to index
        %parallel_loop3A_401 = tpu.vector_load %arg13[%parallel_loop3A_400] masked %parallel_loop3A_399 {strides = array<i32>} : memref<14336xf32, #tpu.memory_space<vmem>>, vector<16xf32>, vector<16xi1>
        tpu.vector_store %arg13[%parallel_loop3A_400], %parallel_loop3A_394 masked %parallel_loop3A_399 {strides = array<i32>} : memref<14336xf32, #tpu.memory_space<vmem>>, vector<16xf32>, vector<16xi1>
        %parallel_loop3A_402 = tpu.all_reduce %parallel_loop3A_399 {dim = 0 : i64, kind = #tpu.reduction_kind<sum>} : vector<16xi1> -> vector<16xi32>
        %parallel_loop3A_403 = vector.extract_strided_slice %parallel_loop3A_402 {offsets = [0], sizes = [1], strides = [1]} : vector<16xi32> to vector<1xi32>
        %parallel_loop3A_404 = vector.extract %parallel_loop3A_403[0] : i32 from vector<1xi32>
        %parallel_loop3A_405 = arith.addi %parallel_loop3A_387, %parallel_loop3A_404 : i32
        scf.yield %parallel_loop3A_405 : i32
      } {sc.loop_unroll_factor = 2 : i64, sc.parallel_access}
      %ge3A = arith.constant 4096 : i32
      %ge3A_303 = arith.cmpi sge, %parallel_loop3A_302, %ge3A : i32
      %convert_element_type3A = arith.extui %ge3A_303 : i1 to i32
      %cond3A = arith.constant 0 : i32
      %cond3A_304 = arith.cmpi ne, %convert_element_type3A, %cond3A : i32
      %cond3A_305:3 = scf.if %cond3A_304 -> (i32, i32, vector<16xf32>) {
        %add3A_306 = arith.addi %scan3A_91, %parallel_loop3A_302 : i32
        %add3A_307 = arith.constant 15 : i32
        %add3A_308 = arith.addi %parallel_loop3A_302, %add3A_307 : i32
        %shift_right_logical3A_309 = arith.constant 4 : i32
        %shift_right_logical3A_310 = arith.shrui %add3A_308, %shift_right_logical3A_309 : i32
        %while3A_311 = arith.constant 0 : i32
        %while3A_312 = arith.subi %shift_right_logical3A_310, %while3A_311 : i32
        %while3A_313 = arith.addi %while3A_311, %while3A_312 : i32
        %while3A_314 = arith.constant 1 : i32
        %while3A_315 = arith.divsi %while3A_312, %while3A_314 : i32
        %while3A_316 = arith.muli %while3A_315, %while3A_314 : i32
        %while3A_317 = arith.addi %while3A_311, %while3A_316 : i32
        %while3A_318 = arith.constant 1 : i32
        %while3A_319 = scf.for %while3A_323 = %while3A_311 to %while3A_317 step %while3A_318 iter_args(%while3A_324 = %scan3A_92) -> (vector<16xf32>)  : i32 {
          %mul3A_325 = arith.constant 16 : i32
          %mul3A_326 = arith.muli %while3A_323, %mul3A_325 : i32
          %get3A_327 = arith.index_cast %mul3A_326 : i32 to index
          %get3A_328 = tpu.vector_load %arg13[%get3A_327] {strides = array<i32>} : memref<14336xf32, #tpu.memory_space<vmem>>, vector<16xf32>,
          %mul3A_329 = arith.constant 16 : i32
          %mul3A_330 = arith.muli %while3A_323, %mul3A_329 : i32
          %iota3A_331 = tpu.iota {dimensions = array<i32: 0>} : vector<16xi32>
          %add3A_332 = vector.broadcast %mul3A_330 : i32 to vector<16xi32>
          %add3A_333 = arith.addi %add3A_332, %iota3A_331 : vector<16xi32>
          %lt3A_334 = vector.broadcast %parallel_loop3A_302 : i32 to vector<16xi32>
          %lt3A_335 = arith.cmpi slt, %add3A_333, %lt3A_334 : vector<16xi32>
          %max3A_336 = arith.constant 0.000000e+00 : f32
          %max3A_337 = vector.broadcast %max3A_336 : f32 to vector<16xf32>
          %max3A_338 = arith.maximumf %get3A_328, %max3A_337 : vector<16xf32>
          %add3A_339 = arith.constant 9.99999996E-13 : f32
          %add3A_340 = vector.broadcast %add3A_339 : f32 to vector<16xf32>
          %add3A_341 = arith.addf %max3A_338, %add3A_340 : vector<16xf32>
          %bitcast_convert_type3A = tpu.bitcast %add3A_341 : vector<16xf32> -> vector<16xi32>
          %shift_right_logical3A_342 = arith.constant 1 : i32
          %shift_right_logical3A_343 = vector.broadcast %shift_right_logical3A_342 : i32 to vector<16xi32>
          %shift_right_logical3A_344 = arith.shrui %bitcast_convert_type3A, %shift_right_logical3A_343 : vector<16xi32>
          %sub3A_345 = arith.constant 1597463007 : i32
          %sub3A_346 = vector.broadcast %sub3A_345 : i32 to vector<16xi32>
          %sub3A_347 = arith.subi %sub3A_346, %shift_right_logical3A_344 : vector<16xi32>
          %bitcast_convert_type3A_348 = tpu.bitcast %sub3A_347 : vector<16xi32> -> vector<16xf32>
          %mul3A_349 = arith.constant 5.000000e-01 : f32
          %mul3A_350 = vector.broadcast %mul3A_349 : f32 to vector<16xf32>
          %mul3A_351 = arith.mulf %mul3A_350, %add3A_341 : vector<16xf32>
          %mul3A_352 = arith.mulf %mul3A_351, %bitcast_convert_type3A_348 : vector<16xf32>
          %mul3A_353 = arith.mulf %mul3A_352, %bitcast_convert_type3A_348 : vector<16xf32>
          %sub3A_354 = arith.constant 1.500000e+00 : f32
          %sub3A_355 = vector.broadcast %sub3A_354 : f32 to vector<16xf32>
          %sub3A_356 = arith.subf %sub3A_355, %mul3A_353 : vector<16xf32>
          %mul3A_357 = arith.mulf %bitcast_convert_type3A_348, %sub3A_356 : vector<16xf32>
          %mul3A_358 = arith.mulf %mul3A_351, %mul3A_357 : vector<16xf32>
          %mul3A_359 = arith.mulf %mul3A_358, %mul3A_357 : vector<16xf32>
          %sub3A_360 = arith.constant 1.500000e+00 : f32
          %sub3A_361 = vector.broadcast %sub3A_360 : f32 to vector<16xf32>
          %sub3A_362 = arith.subf %sub3A_361, %mul3A_359 : vector<16xf32>
          %mul3A_363 = arith.mulf %mul3A_357, %sub3A_362 : vector<16xf32>
          %mul3A_364 = arith.mulf %mul3A_351, %mul3A_363 : vector<16xf32>
          %mul3A_365 = arith.mulf %mul3A_364, %mul3A_363 : vector<16xf32>
          %sub3A_366 = arith.constant 1.500000e+00 : f32
          %sub3A_367 = vector.broadcast %sub3A_366 : f32 to vector<16xf32>
          %sub3A_368 = arith.subf %sub3A_367, %mul3A_365 : vector<16xf32>
          %mul3A_369 = arith.mulf %mul3A_363, %sub3A_368 : vector<16xf32>
          %mul3A_370 = arith.mulf %add3A_341, %mul3A_369 : vector<16xf32>
          %sub3A_371 = arith.constant 4.000000e-02 : f32
          %sub3A_372 = vector.broadcast %sub3A_371 : f32 to vector<16xf32>
          %sub3A_373 = arith.subf %sub3A_372, %mul3A_370 : vector<16xf32>
          %mul3A_374 = arith.mulf %sub3A_373, %sub3A_373 : vector<16xf32>
          %jit3A_375 = arith.constant 0.000000e+00 : f32
          %broadcast_in_dim3A_376 = vector.broadcast %jit3A_375 : f32 to vector<16xf32>
          %select_n3A_377 = arith.select %lt3A_335, %mul3A_374, %broadcast_in_dim3A_376 : vector<16xi1>, vector<16xf32>
          %add3A_378 = arith.addf %while3A_324, %select_n3A_377 : vector<16xf32>
          scf.yield %add3A_378 : vector<16xf32>
        }
        %while3A_320 = arith.constant 1 : i32
        %while3A_321 = scf.for %while3A_323 = %while3A_317 to %while3A_313 step %while3A_320 iter_args(%while3A_324 = %while3A_319) -> (vector<16xf32>)  : i32 {
          %mul3A_325 = arith.constant 16 : i32
          %mul3A_326 = arith.muli %while3A_323, %mul3A_325 : i32
          %get3A_327 = arith.index_cast %mul3A_326 : i32 to index
          %get3A_328 = tpu.vector_load %arg13[%get3A_327] {strides = array<i32>} : memref<14336xf32, #tpu.memory_space<vmem>>, vector<16xf32>,
          %mul3A_329 = arith.constant 16 : i32
          %mul3A_330 = arith.muli %while3A_323, %mul3A_329 : i32
          %iota3A_331 = tpu.iota {dimensions = array<i32: 0>} : vector<16xi32>
          %add3A_332 = vector.broadcast %mul3A_330 : i32 to vector<16xi32>
          %add3A_333 = arith.addi %add3A_332, %iota3A_331 : vector<16xi32>
          %lt3A_334 = vector.broadcast %parallel_loop3A_302 : i32 to vector<16xi32>
          %lt3A_335 = arith.cmpi slt, %add3A_333, %lt3A_334 : vector<16xi32>
          %max3A_336 = arith.constant 0.000000e+00 : f32
          %max3A_337 = vector.broadcast %max3A_336 : f32 to vector<16xf32>
          %max3A_338 = arith.maximumf %get3A_328, %max3A_337 : vector<16xf32>
          %add3A_339 = arith.constant 9.99999996E-13 : f32
          %add3A_340 = vector.broadcast %add3A_339 : f32 to vector<16xf32>
          %add3A_341 = arith.addf %max3A_338, %add3A_340 : vector<16xf32>
          %bitcast_convert_type3A = tpu.bitcast %add3A_341 : vector<16xf32> -> vector<16xi32>
          %shift_right_logical3A_342 = arith.constant 1 : i32
          %shift_right_logical3A_343 = vector.broadcast %shift_right_logical3A_342 : i32 to vector<16xi32>
          %shift_right_logical3A_344 = arith.shrui %bitcast_convert_type3A, %shift_right_logical3A_343 : vector<16xi32>
          %sub3A_345 = arith.constant 1597463007 : i32
          %sub3A_346 = vector.broadcast %sub3A_345 : i32 to vector<16xi32>
          %sub3A_347 = arith.subi %sub3A_346, %shift_right_logical3A_344 : vector<16xi32>
          %bitcast_convert_type3A_348 = tpu.bitcast %sub3A_347 : vector<16xi32> -> vector<16xf32>
          %mul3A_349 = arith.constant 5.000000e-01 : f32
          %mul3A_350 = vector.broadcast %mul3A_349 : f32 to vector<16xf32>
          %mul3A_351 = arith.mulf %mul3A_350, %add3A_341 : vector<16xf32>
          %mul3A_352 = arith.mulf %mul3A_351, %bitcast_convert_type3A_348 : vector<16xf32>
          %mul3A_353 = arith.mulf %mul3A_352, %bitcast_convert_type3A_348 : vector<16xf32>
          %sub3A_354 = arith.constant 1.500000e+00 : f32
          %sub3A_355 = vector.broadcast %sub3A_354 : f32 to vector<16xf32>
          %sub3A_356 = arith.subf %sub3A_355, %mul3A_353 : vector<16xf32>
          %mul3A_357 = arith.mulf %bitcast_convert_type3A_348, %sub3A_356 : vector<16xf32>
          %mul3A_358 = arith.mulf %mul3A_351, %mul3A_357 : vector<16xf32>
          %mul3A_359 = arith.mulf %mul3A_358, %mul3A_357 : vector<16xf32>
          %sub3A_360 = arith.constant 1.500000e+00 : f32
          %sub3A_361 = vector.broadcast %sub3A_360 : f32 to vector<16xf32>
          %sub3A_362 = arith.subf %sub3A_361, %mul3A_359 : vector<16xf32>
          %mul3A_363 = arith.mulf %mul3A_357, %sub3A_362 : vector<16xf32>
          %mul3A_364 = arith.mulf %mul3A_351, %mul3A_363 : vector<16xf32>
          %mul3A_365 = arith.mulf %mul3A_364, %mul3A_363 : vector<16xf32>
          %sub3A_366 = arith.constant 1.500000e+00 : f32
          %sub3A_367 = vector.broadcast %sub3A_366 : f32 to vector<16xf32>
          %sub3A_368 = arith.subf %sub3A_367, %mul3A_365 : vector<16xf32>
          %mul3A_369 = arith.mulf %mul3A_363, %sub3A_368 : vector<16xf32>
          %mul3A_370 = arith.mulf %add3A_341, %mul3A_369 : vector<16xf32>
          %sub3A_371 = arith.constant 4.000000e-02 : f32
          %sub3A_372 = vector.broadcast %sub3A_371 : f32 to vector<16xf32>
          %sub3A_373 = arith.subf %sub3A_372, %mul3A_370 : vector<16xf32>
          %mul3A_374 = arith.mulf %sub3A_373, %sub3A_373 : vector<16xf32>
          %jit3A_375 = arith.constant 0.000000e+00 : f32
          %broadcast_in_dim3A_376 = vector.broadcast %jit3A_375 : f32 to vector<16xf32>
          %select_n3A_377 = arith.select %lt3A_335, %mul3A_374, %broadcast_in_dim3A_376 : vector<16xi1>, vector<16xf32>
          %add3A_378 = arith.addf %while3A_324, %select_n3A_377 : vector<16xf32>
          scf.yield %add3A_378 : vector<16xf32>
        }
        %cond3A_322 = arith.constant 0 : i32
        scf.yield %cond3A_322, %add3A_306, %while3A_321 : i32, i32, vector<16xf32>
      } else {
        scf.yield %parallel_loop3A_302, %scan3A_91, %scan3A_92 : i32, i32, vector<16xf32>
      }
      scf.yield %cond3A_305#0, %cond3A_305#1, %cond3A_305#2 : i32, i32, vector<16xf32>
    }
    %scan3A_60 = arith.constant 100 : i32
    %add3A_61 = arith.constant 15 : i32
    %add3A_62 = arith.addi %scan3A_59#0, %add3A_61 : i32
    %shift_right_logical3A = arith.constant 4 : i32
    %shift_right_logical3A_63 = arith.shrui %add3A_62, %shift_right_logical3A : i32
    %while3A = arith.constant 0 : i32
    %while3A_64 = arith.subi %shift_right_logical3A_63, %while3A : i32
    %while3A_65 = arith.addi %while3A, %while3A_64 : i32
    %while3A_66 = arith.constant 1 : i32
    %while3A_67 = arith.divsi %while3A_64, %while3A_66 : i32
    %while3A_68 = arith.muli %while3A_67, %while3A_66 : i32
    %while3A_69 = arith.addi %while3A, %while3A_68 : i32
    %while3A_70 = arith.constant 1 : i32
    %while3A_71 = scf.for %while3A_89 = %while3A to %while3A_69 step %while3A_70 iter_args(%while3A_90 = %scan3A_59#2) -> (vector<16xf32>)  : i32 {
      %mul3A_91 = arith.constant 16 : i32
      %mul3A_92 = arith.muli %while3A_89, %mul3A_91 : i32
      %get3A = arith.index_cast %mul3A_92 : i32 to index
      %get3A_93 = tpu.vector_load %arg13[%get3A] {strides = array<i32>} : memref<14336xf32, #tpu.memory_space<vmem>>, vector<16xf32>,
      %mul3A_94 = arith.constant 16 : i32
      %mul3A_95 = arith.muli %while3A_89, %mul3A_94 : i32
      %iota3A_96 = tpu.iota {dimensions = array<i32: 0>} : vector<16xi32>
      %add3A_97 = vector.broadcast %mul3A_95 : i32 to vector<16xi32>
      %add3A_98 = arith.addi %add3A_97, %iota3A_96 : vector<16xi32>
      %lt3A_99 = vector.broadcast %scan3A_59#0 : i32 to vector<16xi32>
      %lt3A_100 = arith.cmpi slt, %add3A_98, %lt3A_99 : vector<16xi32>
      %max3A = arith.constant 0.000000e+00 : f32
      %max3A_101 = vector.broadcast %max3A : f32 to vector<16xf32>
      %max3A_102 = arith.maximumf %get3A_93, %max3A_101 : vector<16xf32>
      %add3A_103 = arith.constant 9.99999996E-13 : f32
      %add3A_104 = vector.broadcast %add3A_103 : f32 to vector<16xf32>
      %add3A_105 = arith.addf %max3A_102, %add3A_104 : vector<16xf32>
      %bitcast_convert_type3A = tpu.bitcast %add3A_105 : vector<16xf32> -> vector<16xi32>
      %shift_right_logical3A_106 = arith.constant 1 : i32
      %shift_right_logical3A_107 = vector.broadcast %shift_right_logical3A_106 : i32 to vector<16xi32>
      %shift_right_logical3A_108 = arith.shrui %bitcast_convert_type3A, %shift_right_logical3A_107 : vector<16xi32>
      %sub3A_109 = arith.constant 1597463007 : i32
      %sub3A_110 = vector.broadcast %sub3A_109 : i32 to vector<16xi32>
      %sub3A_111 = arith.subi %sub3A_110, %shift_right_logical3A_108 : vector<16xi32>
      %bitcast_convert_type3A_112 = tpu.bitcast %sub3A_111 : vector<16xi32> -> vector<16xf32>
      %mul3A_113 = arith.constant 5.000000e-01 : f32
      %mul3A_114 = vector.broadcast %mul3A_113 : f32 to vector<16xf32>
      %mul3A_115 = arith.mulf %mul3A_114, %add3A_105 : vector<16xf32>
      %mul3A_116 = arith.mulf %mul3A_115, %bitcast_convert_type3A_112 : vector<16xf32>
      %mul3A_117 = arith.mulf %mul3A_116, %bitcast_convert_type3A_112 : vector<16xf32>
      %sub3A_118 = arith.constant 1.500000e+00 : f32
      %sub3A_119 = vector.broadcast %sub3A_118 : f32 to vector<16xf32>
      %sub3A_120 = arith.subf %sub3A_119, %mul3A_117 : vector<16xf32>
      %mul3A_121 = arith.mulf %bitcast_convert_type3A_112, %sub3A_120 : vector<16xf32>
      %mul3A_122 = arith.mulf %mul3A_115, %mul3A_121 : vector<16xf32>
      %mul3A_123 = arith.mulf %mul3A_122, %mul3A_121 : vector<16xf32>
      %sub3A_124 = arith.constant 1.500000e+00 : f32
      %sub3A_125 = vector.broadcast %sub3A_124 : f32 to vector<16xf32>
      %sub3A_126 = arith.subf %sub3A_125, %mul3A_123 : vector<16xf32>
      %mul3A_127 = arith.mulf %mul3A_121, %sub3A_126 : vector<16xf32>
      %mul3A_128 = arith.mulf %mul3A_115, %mul3A_127 : vector<16xf32>
      %mul3A_129 = arith.mulf %mul3A_128, %mul3A_127 : vector<16xf32>
      %sub3A_130 = arith.constant 1.500000e+00 : f32
      %sub3A_131 = vector.broadcast %sub3A_130 : f32 to vector<16xf32>
      %sub3A_132 = arith.subf %sub3A_131, %mul3A_129 : vector<16xf32>
      %mul3A_133 = arith.mulf %mul3A_127, %sub3A_132 : vector<16xf32>
      %mul3A_134 = arith.mulf %add3A_105, %mul3A_133 : vector<16xf32>
      %sub3A_135 = arith.constant 4.000000e-02 : f32
      %sub3A_136 = vector.broadcast %sub3A_135 : f32 to vector<16xf32>
      %sub3A_137 = arith.subf %sub3A_136, %mul3A_134 : vector<16xf32>
      %mul3A_138 = arith.mulf %sub3A_137, %sub3A_137 : vector<16xf32>
      %jit3A_139 = arith.constant 0.000000e+00 : f32
      %broadcast_in_dim3A_140 = vector.broadcast %jit3A_139 : f32 to vector<16xf32>
      %select_n3A_141 = arith.select %lt3A_100, %mul3A_138, %broadcast_in_dim3A_140 : vector<16xi1>, vector<16xf32>
      %add3A_142 = arith.addf %while3A_90, %select_n3A_141 : vector<16xf32>
      scf.yield %add3A_142 : vector<16xf32>
    }
    %while3A_72 = arith.constant 1 : i32
    %while3A_73 = scf.for %while3A_89 = %while3A_69 to %while3A_65 step %while3A_72 iter_args(%while3A_90 = %while3A_71) -> (vector<16xf32>)  : i32 {
      %mul3A_91 = arith.constant 16 : i32
      %mul3A_92 = arith.muli %while3A_89, %mul3A_91 : i32
      %get3A = arith.index_cast %mul3A_92 : i32 to index
      %get3A_93 = tpu.vector_load %arg13[%get3A] {strides = array<i32>} : memref<14336xf32, #tpu.memory_space<vmem>>, vector<16xf32>,
      %mul3A_94 = arith.constant 16 : i32
      %mul3A_95 = arith.muli %while3A_89, %mul3A_94 : i32
      %iota3A_96 = tpu.iota {dimensions = array<i32: 0>} : vector<16xi32>
      %add3A_97 = vector.broadcast %mul3A_95 : i32 to vector<16xi32>
      %add3A_98 = arith.addi %add3A_97, %iota3A_96 : vector<16xi32>
      %lt3A_99 = vector.broadcast %scan3A_59#0 : i32 to vector<16xi32>
      %lt3A_100 = arith.cmpi slt, %add3A_98, %lt3A_99 : vector<16xi32>
      %max3A = arith.constant 0.000000e+00 : f32
      %max3A_101 = vector.broadcast %max3A : f32 to vector<16xf32>
      %max3A_102 = arith.maximumf %get3A_93, %max3A_101 : vector<16xf32>
      %add3A_103 = arith.constant 9.99999996E-13 : f32
      %add3A_104 = vector.broadcast %add3A_103 : f32 to vector<16xf32>
      %add3A_105 = arith.addf %max3A_102, %add3A_104 : vector<16xf32>
      %bitcast_convert_type3A = tpu.bitcast %add3A_105 : vector<16xf32> -> vector<16xi32>
      %shift_right_logical3A_106 = arith.constant 1 : i32
      %shift_right_logical3A_107 = vector.broadcast %shift_right_logical3A_106 : i32 to vector<16xi32>
      %shift_right_logical3A_108 = arith.shrui %bitcast_convert_type3A, %shift_right_logical3A_107 : vector<16xi32>
      %sub3A_109 = arith.constant 1597463007 : i32
      %sub3A_110 = vector.broadcast %sub3A_109 : i32 to vector<16xi32>
      %sub3A_111 = arith.subi %sub3A_110, %shift_right_logical3A_108 : vector<16xi32>
      %bitcast_convert_type3A_112 = tpu.bitcast %sub3A_111 : vector<16xi32> -> vector<16xf32>
      %mul3A_113 = arith.constant 5.000000e-01 : f32
      %mul3A_114 = vector.broadcast %mul3A_113 : f32 to vector<16xf32>
      %mul3A_115 = arith.mulf %mul3A_114, %add3A_105 : vector<16xf32>
      %mul3A_116 = arith.mulf %mul3A_115, %bitcast_convert_type3A_112 : vector<16xf32>
      %mul3A_117 = arith.mulf %mul3A_116, %bitcast_convert_type3A_112 : vector<16xf32>
      %sub3A_118 = arith.constant 1.500000e+00 : f32
      %sub3A_119 = vector.broadcast %sub3A_118 : f32 to vector<16xf32>
      %sub3A_120 = arith.subf %sub3A_119, %mul3A_117 : vector<16xf32>
      %mul3A_121 = arith.mulf %bitcast_convert_type3A_112, %sub3A_120 : vector<16xf32>
      %mul3A_122 = arith.mulf %mul3A_115, %mul3A_121 : vector<16xf32>
      %mul3A_123 = arith.mulf %mul3A_122, %mul3A_121 : vector<16xf32>
      %sub3A_124 = arith.constant 1.500000e+00 : f32
      %sub3A_125 = vector.broadcast %sub3A_124 : f32 to vector<16xf32>
      %sub3A_126 = arith.subf %sub3A_125, %mul3A_123 : vector<16xf32>
      %mul3A_127 = arith.mulf %mul3A_121, %sub3A_126 : vector<16xf32>
      %mul3A_128 = arith.mulf %mul3A_115, %mul3A_127 : vector<16xf32>
      %mul3A_129 = arith.mulf %mul3A_128, %mul3A_127 : vector<16xf32>
      %sub3A_130 = arith.constant 1.500000e+00 : f32
      %sub3A_131 = vector.broadcast %sub3A_130 : f32 to vector<16xf32>
      %sub3A_132 = arith.subf %sub3A_131, %mul3A_129 : vector<16xf32>
      %mul3A_133 = arith.mulf %mul3A_127, %sub3A_132 : vector<16xf32>
      %mul3A_134 = arith.mulf %add3A_105, %mul3A_133 : vector<16xf32>
      %sub3A_135 = arith.constant 4.000000e-02 : f32
      %sub3A_136 = vector.broadcast %sub3A_135 : f32 to vector<16xf32>
      %sub3A_137 = arith.subf %sub3A_136, %mul3A_134 : vector<16xf32>
      %mul3A_138 = arith.mulf %sub3A_137, %sub3A_137 : vector<16xf32>
      %jit3A_139 = arith.constant 0.000000e+00 : f32
      %broadcast_in_dim3A_140 = vector.broadcast %jit3A_139 : f32 to vector<16xf32>
      %select_n3A_141 = arith.select %lt3A_100, %mul3A_138, %broadcast_in_dim3A_140 : vector<16xi1>, vector<16xf32>
      %add3A_142 = arith.addf %while3A_90, %select_n3A_141 : vector<16xf32>
      scf.yield %add3A_142 : vector<16xf32>
    }
    %add3A_74 = arith.addi %scan3A_59#1, %scan3A_59#0 : i32
    %iota3A = tpu.iota {dimensions = array<i32: 0>} : vector<16xi32>
    %eq3A_75 = arith.constant 0 : i32
    %eq3A_76 = vector.broadcast %eq3A_75 : i32 to vector<16xi32>
    %eq3A_77 = arith.cmpi eq, %iota3A, %eq3A_76 : vector<16xi32>
    %jit3A_78 = arith.constant 0 : i32
    %broadcast_in_dim3A_79 = vector.broadcast %add3A_74 : i32 to vector<16xi32>
    %broadcast_in_dim3A_80 = vector.broadcast %jit3A_78 : i32 to vector<16xi32>
    %select_n3A_81 = arith.select %eq3A_77, %broadcast_in_dim3A_79, %broadcast_in_dim3A_80 : vector<16xi1>, vector<16xi32>
    %swap3A = arith.constant 0 : index
    %swap3A_82 = tpu.vector_load %arg14[%swap3A] {strides = array<i32>} : memref<16xi32, #tpu.memory_space<vmem>>, vector<16xi32>,
    tpu.vector_store %arg14[%swap3A], %select_n3A_81 {strides = array<i32>} : memref<16xi32, #tpu.memory_space<vmem>>, vector<16xi32>,
    %swap3A_83 = arith.constant 0 : index
    %swap3A_84 = tpu.vector_load %arg15[%swap3A_83] {strides = array<i32>} : memref<16xf32, #tpu.memory_space<vmem>>, vector<16xf32>,
    tpu.vector_store %arg15[%swap3A_83], %while3A_73 {strides = array<i32>} : memref<16xf32, #tpu.memory_space<vmem>>, vector<16xf32>,
    %mul3A_85 = arith.constant 16 : i32
    %mul3A_86 = arith.muli %add3A, %mul3A_85 : i32
    "tpu.region"() ({
      %run_scoped3A = tpu.sem_alloc : memref<!tpu.dma_semaphore, #tpu.memory_space<semaphore_mem>>
      %dma_start3A = tpu.memref_slice %arg3[%mul3A_86] : memref<512xi32, #tpu.memory_space<hbm>> -> memref<16xi32, #tpu.memory_space<hbm>>
      %dma_start3A_89 = tpu.memref_slice %arg3[%mul3A_86] : memref<512xi32, #tpu.memory_space<hbm>> -> memref<16xi32, #tpu.memory_space<hbm>>
      tpu.enqueue_dma source(%arg14 : memref<16xi32, #tpu.memory_space<vmem>>) target(%dma_start3A_89 : memref<16xi32, #tpu.memory_space<hbm>>) target_semaphore(%run_scoped3A : memref<!tpu.dma_semaphore, #tpu.memory_space<semaphore_mem>>)
      %dma_wait3A = tpu.memref_slice %arg3[%mul3A_86] : memref<512xi32, #tpu.memory_space<hbm>> -> memref<16xi32, #tpu.memory_space<hbm>>
      %dma_wait3A_90 = tpu.memref_slice %arg3[%mul3A_86] : memref<512xi32, #tpu.memory_space<hbm>> -> memref<16xi32, #tpu.memory_space<hbm>>
      tpu.wait_dma2 semaphore(%run_scoped3A : memref<!tpu.dma_semaphore, #tpu.memory_space<semaphore_mem>>) src(%arg14 : memref<16xi32, #tpu.memory_space<vmem>>) dst(%dma_wait3A_90 : memref<16xi32, #tpu.memory_space<hbm>>)
      tpu.yield
    }) : () -> ()
    %mul3A_87 = arith.constant 16 : i32
    %mul3A_88 = arith.muli %add3A, %mul3A_87 : i32
    "tpu.region"() ({
      %run_scoped3A = tpu.sem_alloc : memref<!tpu.dma_semaphore, #tpu.memory_space<semaphore_mem>>
      %dma_start3A = tpu.memref_slice %arg4[%mul3A_88] : memref<512xf32, #tpu.memory_space<hbm>> -> memref<16xf32, #tpu.memory_space<hbm>>
      %dma_start3A_89 = tpu.memref_slice %arg4[%mul3A_88] : memref<512xf32, #tpu.memory_space<hbm>> -> memref<16xf32, #tpu.memory_space<hbm>>
      tpu.enqueue_dma source(%arg15 : memref<16xf32, #tpu.memory_space<vmem>>) target(%dma_start3A_89 : memref<16xf32, #tpu.memory_space<hbm>>) target_semaphore(%run_scoped3A : memref<!tpu.dma_semaphore, #tpu.memory_space<semaphore_mem>>)
      %dma_wait3A = tpu.memref_slice %arg4[%mul3A_88] : memref<512xf32, #tpu.memory_space<hbm>> -> memref<16xf32, #tpu.memory_space<hbm>>
      %dma_wait3A_90 = tpu.memref_slice %arg4[%mul3A_88] : memref<512xf32, #tpu.memory_space<hbm>> -> memref<16xf32, #tpu.memory_space<hbm>>
      tpu.wait_dma2 semaphore(%run_scoped3A : memref<!tpu.dma_semaphore, #tpu.memory_space<semaphore_mem>>) src(%arg15 : memref<16xf32, #tpu.memory_space<vmem>>) dst(%dma_wait3A_90 : memref<16xf32, #tpu.memory_space<hbm>>)
      tpu.yield
    }) : () -> ()
    return
  }
}

</mosaic_0001>

<sc_bundles>
// kernel: kernel.3.cloned.1.call-start
scs
__scs_entry_jumppad:
0x0: {  	(pc) =	sbr.rel $0x88, $3  }
0x1: {  	(tag) =	ssettag $0x0;
	lr =	simm.s32 $0x1  }
0x2: {  	[smem:$0x3FA0] =	sst lr;
	_ =	strace $0xD0000000  }
0x3: {  	_ = 	snop  }
0x4: {  	_ = 	snop  }
0x5: {  	_ = 	snop  }
0x6: {  	_ = 	snop  }
0x7: {  	_ = 	snop  }
__scs_overlays_trampoline_lowered:
0x8: {  	[smem:$0x3FAF] =	sst s0  }
0x9: {  	[smem:$0x3FB0] =	sst s1  }
0xa: {  	[smem:$0x3FB1] =	sst s2  }
0xb: {  	[smem:$0x3FB2] =	sst s3  }
0xc: {  	[smem:$0x3FB3] =	sst s4  }
0xd: {  	[smem:$0x3FB4] =	sst s5  }
0xe: {  	[smem:$0x3FB5] =	sst s6  }
0xf: {  	[smem:$0x3FB6] =	sst s7  }
0x10: {  	[smem:$0x3FB7] =	sst s8  }
0x11: {  	[smem:$0x3FB8] =	sst s9;
	s0 =	simm.s32 @!p0 $0x0  }
0x12: {  	s1 =	sld [smem:$0x3F9E];
	s0 =	simm.s32 @p0 $0x1  }
0x13: {  	[smem:$0x3FB9] =	sst s0;
	s0 =	simm.s32 @!p1 $0x0  }
0x14: {  	s2 =	sld [smem:$0x3F9D];
	s0 =	simm.s32 @p1 $0x1  }
0x15: {  	[smem:$0x3FBA] =	sst s0;
	s0 =	simm.s32 @!p2 $0x0  }
0x16: {  	s3 =	sld [smem:$0x3FDB];
	s0 =	simm.s32 @p2 $0x1  }
0x17: {  	s4 =	simm.s32 $0x1BF5;
	[smem:$0x3FBC] =	sst s0  }
0x18: {  	s0 =	sld [smem:$0x3F9F];
	_ =	swait.ge [sflag:s4], $0x0  }
0x19: {  	s7 =	sld [smem:$0x3FA0]  }
0x1a: {  	s8 =	sadd.s32 $0xFFFFE003, lr  }
0x1b: {  	s9 =	sadd.s32 $0xFFFFFEF7, lr;
	s5 =	simm.s32 $0xFFFFFFFF;
	p2 =	slt.u32 s8, $0xFFFFF086  }
0x1c: {  	p1 =	slt.u32 s9, $0xF7A;
	s5 =	simm.s32 @!p2 $0x0  }
0x1d: {  	s5 =	simm.s32 @p1 $0x1;
	p0 =	seq.s32 s7, s2  }
0x1e: {  	s7 =	smul.u32 @!p0 $0xF7A, s2;
	p2 =	seq.s32 @!p0 s5, $0x0  }
0x1f: {  	s9 =	smul.u32 $0xF7A, s1;
	s8 =	simm.s32 @!p0 $0x1BF5;
	p2 =	por !p2, p0  }
0x20: {  	[sflag:s8] =	ssyncset.s32 @!p0 $0xFFFFF086;
	s6 =	sadd.s32 @!p0 s3, s7;
	s7 =	simm.s32 @!p0 $0x108  }
0x21: {  	s3 =	sadd.s32 s3, s9;
	s6 =	sadd.s32 @!p0 $0x88, s6;
	s7 =	simm.s32 @p2 $0x1082  }
0x22: {  	[simem:s7], [sflag:s8] =	dma.local @!p0 [hbm:s6], $0xF7A  }
0x23: {  	s9 =	sor.u32 $0xD0000000, s2;
	s6 =	simm.s32 $0x108;
	_ =	swait.ge @!p0 [sflag:s8], $0x0  }
0x24: {  	s3 =	sadd.s32 $0x88, s3;
	s6 =	simm.s32 @!p1 $0x1082;
	[sflag:s4] =	ssyncset.s32 $0xFFFFF086  }
0x25: {  	[simem:s6], [sflag:s4] =	dma.local [hbm:s3], $0xF7A  }
0x26: {  	[smem:$0x3FA0] =	sst s1;
	(tag) =	ssettag s2;
	_ =	strace s9  }
0x27: {  	s1 =	sld [smem:$0x3FB0]  }
0x28: {  	s2 =	sld [smem:$0x3FB1]  }
0x29: {  	s4 =	sld [smem:$0x3FB3]  }
0x2a: {  	p0 =	seq.s32 s5, $0x0;
	s5 =	sld [smem:$0x3FB4]  }
0x2b: {  	s6 =	sld [smem:$0x3FB5]  }
0x2c: {  	s7 =	sld [smem:$0x3FB6]  }
0x2d: {  	s3 =	simm.s32 $0x108;
	s8 =	sld [smem:$0x3FB7]  }
0x2e: {  	s3 =	simm.s32 @!p0 $0x1082;
	s9 =	sld [smem:$0x3FB8]  }
0x2f: {  	lr =	sadd.s32 s0, s3;
	s0 =	sld [smem:$0x3FAF]  }
0x30: {  	s3 =	sld [smem:$0x3FB2]  }
0x31: {  	[smem:$0x3FBB] =	sst s10  }
0x32: {  	s10 =	sld [smem:$0x3FB9];
	_ =	sdelay $0x3  }
0x33: {  	p0 =	seq.s32 s10, $0x1;
	s10 =	sld [smem:$0x3FBB];
	_ =	sdelay $0x3  }
0x34: {  	[smem:$0x3FBB] =	sst s10  }
0x35: {  	s10 =	sld [smem:$0x3FBA];
	_ =	sdelay $0x3  }
0x36: {  	p1 =	seq.s32 s10, $0x1;
	s10 =	sld [smem:$0x3FBB];
	_ =	sdelay $0x3  }
0x37: {  	[smem:$0x3FBB] =	sst s10  }
0x38: {  	s10 =	sld [smem:$0x3FBC]  }
0x39: {  	_ = 	snop;
	(pc) =	sbr.ind lr, $3  }
0x3a: {  	_ = 	snop  }
0x3b: {  	_ = 	snop  }
0x3c: {  	p2 =	seq.s32 s10, $0x1;
	s10 =	sld [smem:$0x3FBB]  }
0x3d: {  	_ =	shalt  }
0x3e: {  	_ =	shalt  }
0x3f: {  	_ =	shalt  }
0x40: {  	_ =	shalt  }
0x41: {  	_ =	shalt  }
0x42: {  	_ =	shalt  }
0x43: {  	_ =	shalt  }
0x44: {  	_ =	shalt  }
0x45: {  	_ =	shalt  }
0x46: {  	_ =	shalt  }
0x47: {  	_ =	shalt  }
0x48: {  	_ =	shalt  }
0x49: {  	_ =	shalt  }
0x4a: {  	_ =	shalt  }
0x4b: {  	_ =	shalt  }
0x4c: {  	_ =	shalt  }
0x4d: {  	_ =	shalt  }
0x4e: {  	_ =	shalt  }
0x4f: {  	_ =	shalt  }
0x50: {  	_ =	shalt  }
0x51: {  	_ =	shalt  }
0x52: {  	_ =	shalt  }
0x53: {  	_ =	shalt  }
0x54: {  	_ =	shalt  }
0x55: {  	_ =	shalt  }
0x56: {  	_ =	shalt  }
0x57: {  	_ =	shalt  }
0x58: {  	_ =	shalt  }
0x59: {  	_ =	shalt  }
0x5a: {  	_ =	shalt  }
0x5b: {  	_ =	shalt  }
0x5c: {  	_ =	shalt  }
0x5d: {  	_ =	shalt  }
0x5e: {  	_ =	shalt  }
0x5f: {  	_ =	shalt  }
0x60: {  	_ =	shalt  }
0x61: {  	_ =	shalt  }
0x62: {  	_ =	shalt  }
0x63: {  	_ =	shalt  }
0x64: {  	_ =	shalt  }
0x65: {  	_ =	shalt  }
0x66: {  	_ =	shalt  }
0x67: {  	_ =	shalt  }
0x68: {  	_ =	shalt  }
0x69: {  	_ =	shalt  }
0x6a: {  	_ =	shalt  }
0x6b: {  	_ =	shalt  }
0x6c: {  	_ =	shalt  }
0x6d: {  	_ =	shalt  }
0x6e: {  	_ =	shalt  }
0x6f: {  	_ =	shalt  }
0x70: {  	_ =	shalt  }
0x71: {  	_ =	shalt  }
0x72: {  	_ =	shalt  }
0x73: {  	_ =	shalt  }
0x74: {  	_ =	shalt  }
0x75: {  	_ =	shalt  }
0x76: {  	_ =	shalt  }
0x77: {  	_ =	shalt  }
0x78: {  	_ =	shalt  }
0x79: {  	_ =	shalt  }
0x7a: {  	_ =	shalt  }
0x7b: {  	_ =	shalt  }
0x7c: {  	_ =	shalt  }
0x7d: {  	_ =	shalt  }
0x7e: {  	_ =	shalt  }
0x7f: {  	_ =	shalt  }
0x80: {  	_ =	shalt  }
0x81: {  	_ =	shalt  }
0x82: {  	_ =	shalt  }
0x83: {  	_ =	shalt  }
0x84: {  	_ =	shalt  }
0x85: {  	_ =	shalt  }
0x86: {  	_ =	shalt  }
0x87: {  	_ =	shalt  }
.Lfunc_end0:
.L_simem_size_0:
called_computation_lowered:
.L_overlay_start_0:
0x88: {  	s2 =	sld [smem:$0x3FD9]  }
0x89: {  	s3 =	sld [smem:$0x3FFE];
	_ =	sdelay $0x1  }
0x8a: {  	s1 =	srdreg.scid  }
0x8b: {  	s0 =	sand.u32 $0x1, s1  }
0x8c: {  	s16 =	sshll.u32 s0, $0xA;
	s2 =	sadd.s32 s3, s2  }
0x8d: {  	s2 =	sadd.s32 s2, s16  }
0x8e: {  	[smem:$0x3FC7] =	sst s2  }
0x8f: {  	_ = 	snop  }
0x90: {  	(tm) =	ssettm $0x1  }
0x91: {  	s17 =	sld [smem:$0x3FFB];
	_ =	sdelay $0x3  }
0x92: {  	_ =	strace s17  }
0x93: {  	s2 =	sld [smem:$0x3FFC];
	_ =	sdelay $0x3  }
0x94: {  	_ =	strace s2  }
0x95: {  	s2 =	sld [smem:$0x3FFD];
	_ =	sdelay $0x3  }
0x96: {  	_ =	strace s2  }
0x97: {  	_ =	strace $0x8FFFFFFF  }
0x98: {  	s18 =	sld [smem:$0x3FDB];
	_ =	sdelay $0x1  }
0x99: {  	s19 =	simm.s32 $_scs_section_size  }
0x9a: {  	s4 =	simm.s32 $_size__tile_overlayer_lowered;
	s5 =	simm.s32 $_tile_overlayer_lowered  }
0x9b: {  	s22 =	simm.s32 $0x1BFF;
	s21 =	sshll.u32 s5, $0x1;
	s2 =	sadd.s32 s19, s18  }
0x9c: {  	s6 =	simm.s32 $0x0;
	s20 =	sshll.u32 s4, $0x1;
	s4 =	sadd.s32 s21, s2  }
0x9d: {  	[timem:s6], [sflag:s22] =	dma.local [hbm:s4], s20  }
0x9e: {  	_ =	swait.ge [sflag:s22], s20  }
0x9f: {  	s3 =	ssub.s32 $0x0, s20;
	[sflag:s22] =	ssyncset.done $0x0  }
0xa0: {  	[sflag:s22] =	ssyncadd.s32 s3;
	_ =	sdelay $0x1  }
0xa1: {  	s23 =	simm.s32 $0x1B8B  }
0xa2: {  	_ =	swait.ge [sflag:s23], $0x1  }
0xa3: {  	[sflag:s23] =	ssyncset.done $0x0  }
0xa4: {  	s25 =	simm.s32 $0x1B8E;
	s24 =	sld [smem:$0x3FFE];
	[sflag:s23] =	ssyncadd.s32 $0xFFFFFFFF  }
0xa5: {  	s26 =	simm.s32 $execute0_lowered;
	[smem:$0x3FD2] =	sst s25  }
0xa6: {  	s4 =	sshll.u32 s26, $0x1;
	_ =	strace $0x80000046;
	[dreg:$0x1] =	wrdreg $0xFFFFFFFF  }
0xa7: {  	s28 =	simm.s32 $_size_execute0_lowered;
	s2 =	sadd.s32 s2, s4;
	[dreg:$0x0] =	wrdreg $0x0  }
0xa8: {  	s4 =	sshll.u32 s28, $0x1;
	[dreg:$0x2] =	wrdreg s2  }
0xa9: {  	[dreg:$0x3] =	wrdreg s4  }
0xaa: {  	[dreg:$0x4] =	wrdreg $0xC0  }
0xab: {  	_ =	task [dreg:s6], $0x5FFFF  }
0xac: {  	[dreg:$0x1] =	wrdreg $0xFFFFFFFF  }
0xad: {  	[dreg:$0x0] =	wrdreg $0x60  }
0xae: {  	[dreg:$0x2] =	wrdreg s24  }
0xaf: {  	[dreg:$0x3] =	wrdreg $0x9  }
0xb0: {  	_ =	task.clear_ibuf [dreg:s6], $0x4FFFF;
	_ =	strace $0x90000046  }
0xb1: {  	s29 =	simm.s32 $0x9;
	_ =	strace $0x80000048  }
0xb2: {  	_ =	swait.ge [sflag:s29], $0x1  }
0xb3: {  	[sflag:s29] =	ssyncadd.s32 $0xFFFFFFFF  }
0xb4: {  	_ =	strace $0x90000048  }
0xb5: {  	_ =	sfence  }
0xb6: {  	s30 =	sld [smem:$0x0];
	_ =	sdelay $0x2  }
0xb7: {  	s31 =	sshll.u32 s1, $0xD;
	s1 =	sshrl.u32 s1, $0x2  }
0xb8: {  	s3 =	sand.u32 $0x4000, s31;
	s1 =	sadd.s32 s1, s30  }
0xb9: {  	s0 =	sor.u32 s3, s0;
	s1 =	sshll.u32 s1, $0x11  }
0xba: {  	s0 =	sor.u32 s1, s0  }
0xbb: {  	s0 =	sadd.s32 $0x8F2B, s0  }
0xbc: {  	[sflag:s0] =	ssyncadd.remote.s32 $0x1  }
0xbd: {  	_ =	sfence.sel $0xFFFF  }
0xbe: {  	[dreg:$0x0] =	wrdreg $0xFFFFFFFF;
	(pc) =	sbr.abs _section_cstart, $3  }
0xbf: {  	[dreg:$0x1] =	wrdreg $0xFFFFFFFF  }
0xc0: {  	_ =	task.clear_ibuf [dreg:s6], $0x2FFFF;
	_ =	strace $0x9FFFFFFF  }
0xc1: {  	(tm) =	ssettm $0x7FFFFFFF  }
tec
execute0_lowered:
.L_overlay_start_1:
0x0: {  	(tag) =	ssettag $0x1  }
0x1: {  	s1 =	srdreg.scid;
	s2 =	stileid.u32  }
0x2: {  	s8 =	simm.s32 $0x0;
	s1 =	sand.u32 $0x1, s1;
	s4 =	sshrl.u32 s2, $0x1  }
0x3: {  	s3 =	sshll.u32 s2, $0x1;
	[smem:$0x7FF] =	sst s8;
	s4 =	smul.u32 $0x1800, s4  }
0x4: {  	s0 =	rddreg [dreg:$0x0];
	s3 =	sor.u32 s1, s3;
	_ =	strace $0x80000047  }
0x5: {  	s1 =	ssub.s32 $0x2, s1;
	s5 =	sshll.u32 s3, $0x1;
	s4 =	sshrl.u32 s4, $0x3  }
0x6: {  	s6 =	sand.u32 $0x3, s3;
	s5 =	sadd.s32 s5, s0;
	s20 =	sadd.s32 s0, s4  }
0x7: {  	s7 =	sshrl.u32 s1, $0x1;
	s22 =	sadd.s32 $0x1800, s5;
	[dreg:$0x3] =	wrdreg s20  }
0x8: {  	s1 =	ssub.s32 s1, s7;
	s23 =	sadd.s32 $0x1A00, s5;
	[dreg:$0x6] =	wrdreg s22  }
0x9: {  	s19 =	smul.u32 $0x1F4, s6;
	s1 =	smax.u32 s1, $0x1;
	[dreg:$0x7] =	wrdreg s23  }
0xa: {  	[dreg:$0x8] =	wrdreg s1  }
0xb: {  	s4 =	sadd.s32 $0x100, s20;
	[dreg:$0x2] =	wrdreg s19  }
0xc: {  	s3 =	sadd.s32 $0x200, s20;
	[dreg:$0x4] =	wrdreg s4  }
0xd: {  	s24 =	sadd.s32 $0x11, s19;
	[dreg:$0x5] =	wrdreg s3  }
0xe: {  	s21 =	smul.u32 $0x7D0, s6;
	s25 =	sor.u32 $0x1, s19;
	[dreg:$0x9] =	wrdreg s24  }
0xf: {  	v0 =	vlaneseq.u32;
	s26 =	sadd.s32 $0x5, s19;
	[dreg:$0xa] =	wrdreg s25  }
0x10: {  	v3 =	vmul.u32 $0xFFFFFFFF, v0;
	s0 =	sshrl.u32 s21, $0x2;
	s28 =	sadd.s32 $0x4, s19;
	[dreg:$0xb] =	wrdreg s26  }
.Ltmp0:
0x11: {  	s29 =	sor.u32 $0x3, s19;
	[dreg:$0xc] =	wrdreg s28;
	(pc) =	sbr.rel .LBB2_1-.Ltmp0, $4  }
0x12: {  	v1 =	vadd.s32 $0xE, v3;
	s30 =	sor.u32 $0x2, s19;
	s0 =	sor.u32 $0x3800, s0;
	[dreg:$0xd] =	wrdreg s29  }
0x13: {  	[tilespmem:$0x1FFD0] =	vst v1;
	s31 =	ssub.s32 $0xE, s19;
	s1 =	simm.s32 $0x1;
	[dreg:$0xe] =	wrdreg s30;
	v1 =	vmov s0  }
0x14: {  	s22 =	simm.s32 $0x1800;
	s23 =	simm.s32 $0x2000;
	[dreg:$0xf] =	wrdreg s31;
	[tilespmem:$0x1FFE0] =	vst v1;
	v1 =	vmov s19  }
0x15: {  	s24 =	simm.s32 $0x2800;
	s25 =	simm.s32 $0x3000;
	s3 =	simm.s32 $0x0;
	[tilespmem:$0x1FFF0] =	vst v1  }
.LBB2_37:
0x16: {  	s3 =	rddreg [dreg:$0x10]  }
0x17: {  	s2 =	rddreg [dreg:$0x19]  }
.LBB2_53:
0x18: {  	s0 =	sadd.s32 s29, s2  }
0x19: {  	vm0 =	vcmask $0x300;
	v1 =	vmov s0  }
0x1a: {  	[tilespmem:$0x7880] =	vst v57;
	v1 =	vnsel vm0, $0x0, v1  }
0x1b: {  	s28 =	rddreg [dreg:$0x6];
	s1 =	simm.s32 $0x7800;
	[tilespmem:$0x7800] =	vst v1  }
0x1c: {  	[hbm4b:s28+s8] =	stream.linear.scatter [tilespmem:s1], [sflag:$0x1], $0x10, $0x38;
	[tilespmem:$0x7900] =	vst v63  }
0x1d: {  	s1 =	simm.s32 $0x1  }
0x1e: {  	_ =	swait.ge [sflag:s1], $0x10  }
0x1f: {  	[sflag:s1] =	ssyncset.done $0x0  }
0x20: {  	s30 =	simm.s32 $0x7880;
	s29 =	rddreg [dreg:$0x7];
	[sflag:s1] =	ssyncadd.s32 $0xFFFFFFF0  }
0x21: {  	[hbm4b:s29+s8] =	stream.linear.scatter [tilespmem:s30], [sflag:$0x1], $0x10, $0x38;
	[tilespmem:$0x7900] =	vst v63  }
0x22: {  	_ =	swait.ge [sflag:s1], $0x10  }
0x23: {  	s3 =	sadd.s32 $0x1, s3;
	s31 =	rddreg [dreg:$0x8]  }
0x24: {  	p0 =	sne.s32 s3, s31  }
.Ltmp1:
0x25: {  	_ = 	snop;
	(pc) =	sbr.rel @!p0 .LBB2_54-.Ltmp1, $3  }
0x26: {  	_ =	sdelay $0x1  }
0x27: {  	[sflag:s1] =	ssyncset.done $0x0  }
0x28: {  	[sflag:s1] =	ssyncadd.s32 $0xFFFFFFF0  }
.LBB2_1:
0x29: {  	[dreg:$0x10] =	wrdreg s3  }
0x2a: {  	s0 =	rddreg [dreg:$0x3]  }
0x2b: {  	[tilespmem:s8], [sflag:$0x1] =	stream.linear.gather [hbm4b:s0+s8], $0x800, $0x38;
	[tilespmem:$0x7900] =	vst v63  }
0x2c: {  	_ =	swait.ge [sflag:s1], $0x800  }
0x2d: {  	[sflag:s1] =	ssyncset.done $0x0  }
0x2e: {  	s2 =	simm.s32 $0x800;
	s29 =	rddreg [dreg:$0x4];
	[sflag:s1] =	ssyncadd.s32 $0xFFFFF800  }
0x2f: {  	[tilespmem:s2], [sflag:$0x1] =	stream.linear.gather [hbm4b:s29+s8], $0x800, $0x38;
	[tilespmem:$0x7900] =	vst v63  }
0x30: {  	_ =	swait.ge [sflag:s1], $0x800  }
0x31: {  	[sflag:s1] =	ssyncset.done $0x0  }
0x32: {  	s31 =	simm.s32 $0x1000;
	s30 =	rddreg [dreg:$0x5];
	[sflag:s1] =	ssyncadd.s32 $0xFFFFF800  }
0x33: {  	[tilespmem:s31], [sflag:$0x1] =	stream.linear.gather [hbm4b:s30+s8], $0x800, $0x38;
	[tilespmem:$0x7900] =	vst v63  }
0x34: {  	_ =	swait.ge [sflag:s1], $0x800  }
0x35: {  	[sflag:s1] =	ssyncset.done $0x0  }
0x36: {  	[sflag:s1] =	ssyncadd.s32 $0xFFFFF800;
	s1 =	simm.s32 $0x0  }
0x37: {  	v6 =	vld [tilespmem:s1+$0x0]  }
0x38: {  	v7 =	vld [tilespmem:s1+$0x800]  }
0x39: {  	v10 =	vld [tilespmem:s1+$0x1000];
	_ =	sdelay $0x3  }
0x3a: {  	s0 =	simm.s32 $0x10;
	v9 =	vmul.f32 v6, v6;
	v11 =	vmul.f32 v7, v7;
	v12 =	vshrl.u32 v6, $0x10  }
0x3b: {  	v8 =	vld [tilespmem:s0+$0x0];
	v13 =	vshrl.u32 v7, $0x10;
	v14 =	vmul.f32 v10, v10;
	v15 =	vshrl.u32 v10, $0x10  }
0x3c: {  	v12 =	vand.u32 $0x1, v12;
	v13 =	vand.u32 $0x1, v13;
	v11 =	vadd.f32 v11, v9;
	v9 =	vld [tilespmem:s0+$0x800]  }
0x3d: {  	v6 =	vadd.s32 v12, v6;
	v12 =	vadd.s32 v13, v7;
	v13 =	vand.u32 $0x1, v15  }
0x3e: {  	v7 =	vld [tilespmem:s0+$0x1000];
	v6 =	vadd.s32 $0x7FFF, v6;
	v10 =	vadd.s32 v13, v10  }
0x3f: {  	v12 =	vadd.s32 $0x7FFF, v12;
	v11 =	vadd.f32 v14, v11;
	v6 =	vand.u32 $0xFFFF0000, v6  }
0x40: {  	v10 =	vadd.s32 $0x7FFF, v10;
	v14 =	vshrl.u32 v8, $0x10;
	v15 =	vand.u32 $0xFFFF0000, v12;
	[tilespmem:s1+$0x1800] =	vst v6  }
0x41: {  	s5 =	simm.s32 $0x20;
	[tilespmem:s1+$0x3000] =	vst v11;
	v11 =	vmul.f32 v8, v8;
	v12 =	vshrl.u32 v9, $0x10;
	v13 =	vmul.f32 v9, v9  }
0x42: {  	s6 =	simm.s32 $0xC0;
	v10 =	vand.u32 $0xFFFF0000, v10;
	v14 =	vand.u32 $0x1, v14;
	v6 =	vld [tilespmem:s5+$0x0];
	[tilespmem:s1+$0x2000] =	vst v15;
	v12 =	vand.u32 $0x1, v12  }
.LBB2_2:
0x43: {  	p0 =	sne.s32 s6, $0x1FC0;
	v15 =	vld [tilespmem:s5+$0x800];
	v16 =	vshrl.u32 v7, $0x10;
	v11 =	vadd.f32 v13, v11;
	v13 =	vmul.f32 v7, v7;
	[tilespmem:s1+$0x2800] =	vst v10;
	s1 =	smov.u32 s0;
	s0 =	smov.u32 s5  }
0x44: {  	v8 =	vadd.s32 v14, v8;
	v9 =	vadd.s32 v12, v9;
	v10 =	vand.u32 $0x1, v16  }
.Ltmp2:
0x45: {  	v3 =	vadd.s32 $0x7FFF, v8;
	v10 =	vadd.s32 v10, v7;
	v7 =	vld [tilespmem:s0+$0x1000];
	v11 =	vadd.f32 v13, v11;
	(pc) =	sbr.rel @p0 .LBB2_2-.Ltmp2, $4  }
0x46: {  	v1 =	vadd.s32 $0x7FFF, v9;
	v12 =	vand.u32 $0xFFFF0000, v3;
	v2 =	vadd.s32 $0x7FFF, v10  }
0x47: {  	v16 =	vand.u32 $0xFFFF0000, v1;
	v14 =	vshrl.u32 v6, $0x10;
	v10 =	vand.u32 $0xFFFF0000, v2;
	[tilespmem:s1+$0x3000] =	vst v11;
	v8 =	vmovc v6  }
0x48: {  	s5 =	sshra.s32 s6, $0x2;
	v17 =	vshrl.u32 v15, $0x10;
	v11 =	vmul.f32 v6, v8;
	v13 =	vmul.f32 v15, v15;
	[tilespmem:s1+$0x1800] =	vst v12;
	v9 =	vmovc v15  }
0x49: {  	s6 =	sadd.s32 $0x40, s6;
	v14 =	vand.u32 $0x1, v14;
	v6 =	vld [tilespmem:s5+$0x0];
	v12 =	vand.u32 $0x1, v17;
	[tilespmem:s1+$0x2000] =	vst v16  }
0x4a: {  	v15 =	vld [tilespmem:s5+$0x800];
	v16 =	vshrl.u32 v7, $0x10;
	[tilespmem:s1+$0x2800] =	vst v10;
	v51 =	vadd.f32 v13, v11  }
0x4b: {  	v52 =	vmul.f32 v7, v7;
	v8 =	vadd.s32 v14, v8;
	v9 =	vadd.s32 v12, v9;
	v53 =	vld [tilespmem:s5+$0x1000]  }
0x4c: {  	v54 =	vand.u32 $0x1, v16;
	v8 =	vadd.s32 $0x7FFF, v8;
	v9 =	vadd.s32 $0x7FFF, v9  }
0x4d: {  	v7 =	vadd.s32 v54, v7;
	v10 =	vadd.f32 v52, v51;
	v8 =	vand.u32 $0xFFFF0000, v8  }
0x4e: {  	v9 =	vand.u32 $0xFFFF0000, v9;
	v7 =	vadd.s32 $0x7FFF, v7;
	v55 =	vmul.f32 v6, v6  }
0x4f: {  	v57 =	vshrl.u32 v6, $0x10;
	v7 =	vand.u32 $0xFFFF0000, v7;
	v56 =	vmul.f32 v15, v15  }
0x50: {  	[tilespmem:s0+$0x1800] =	vst v8;
	v58 =	vshrl.u32 v15, $0x10;
	v60 =	vand.u32 $0x1, v57;
	v59 =	vmul.f32 v53, v53  }
0x51: {  	[tilespmem:s0+$0x3000] =	vst v10;
	v10 =	vand.u32 $0x1, v58;
	v61 =	vshrl.u32 v53, $0x10;
	v6 =	vadd.s32 v60, v6  }
0x52: {  	[tilespmem:s0+$0x2800] =	vst v7;
	v11 =	vadd.f32 v56, v55;
	v7 =	vadd.s32 v10, v15;
	v6 =	vadd.s32 $0x7FFF, v6  }
0x53: {  	[tilespmem:s0+$0x2000] =	vst v9;
	v9 =	vand.u32 $0x1, v61;
	v6 =	vand.u32 $0xFFFF0000, v6;
	v7 =	vadd.s32 $0x7FFF, v7  }
0x54: {  	v9 =	vadd.s32 v9, v53;
	v62 =	vadd.f32 v59, v11;
	v7 =	vand.u32 $0xFFFF0000, v7;
	[tilespmem:s5+$0x1800] =	vst v6  }
0x55: {  	v63 =	vadd.s32 $0x7FFF, v9;
	[tilespmem:s5+$0x2000] =	vst v7  }
0x56: {  	v3 =	vld [tilespmem:$0x1FFD0];
	v6 =	vand.u32 $0xFFFF0000, v63;
	[tilespmem:s5+$0x3000] =	vst v62  }
0x57: {  	s2 =	simm.s32 $0x0;
	s1 =	simm.s32 $0x0;
	v1 =	vimm.s32 $0x3FF;
	v2 =	vimm.s32 $0x0;
	v4 =	vld [tilespmem:$0x1FFE0];
	s0 =	rddreg [dreg:$0x2];
	[tilespmem:s5+$0x2800] =	vst v6  }
.LBB2_4:
0x58: {  	v6 =	vadd.s32 s0, v0;
	_ =	sdelay $0x4  }
0x59: {  	v6 =	vld.idx.msk [tilespmem:v6+s2+$0x0], $0xffff;
	_ =	sdelay $0x1  }
0x5a: {  	v7 =	vld.idx.msk [tilespmem:v1+s2+$0x0], $0xffff;
	_ =	sdelay $0x2  }
0x5b: {  	v6 =	vadd.f32 $1.589999940e-01, v6;
	_ =	sdelay $0x1  }
0x5c: {  	vm0 =	vlt.f32 v7, v6  }
0x5d: {  	v7 =	vsel vm0, $0x400, v2  }
0x5e: {  	v8 =	vor.u32 $0x1FF, v7;
	_ =	sdelay $0x4  }
0x5f: {  	v8 =	vld.idx.msk [tilespmem:v8+s2+$0x0], $0xffff;
	_ =	sdelay $0x4  }
0x60: {  	vm6 =	vlt.f32 v8, v6  }
0x61: {  	v8 =	vsel vm6, $0x200, v2  }
0x62: {  	v7 =	vor.u32 v7, v8  }
0x63: {  	v8 =	vor.u32 $0xFF, v7;
	_ =	sdelay $0x4  }
0x64: {  	v8 =	vld.idx.msk [tilespmem:v8+s2+$0x0], $0xffff;
	_ =	sdelay $0x4  }
0x65: {  	vm7 =	vlt.f32 v8, v6  }
0x66: {  	v8 =	vsel vm7, $0x100, v2  }
0x67: {  	v7 =	vor.u32 v8, v7  }
0x68: {  	v8 =	vor.u32 $0x7F, v7;
	_ =	sdelay $0x4  }
0x69: {  	v8 =	vld.idx.msk [tilespmem:v8+s2+$0x0], $0xffff;
	_ =	sdelay $0x4  }
0x6a: {  	vm8 =	vlt.f32 v8, v6  }
0x6b: {  	v8 =	vsel vm8, $0x80, v2  }
0x6c: {  	v7 =	vor.u32 v8, v7  }
0x6d: {  	v8 =	vor.u32 $0x3F, v7;
	_ =	sdelay $0x4  }
0x6e: {  	v8 =	vld.idx.msk [tilespmem:v8+s2+$0x0], $0xffff;
	_ =	sdelay $0x4  }
0x6f: {  	vm9 =	vlt.f32 v8, v6  }
0x70: {  	v8 =	vsel vm9, $0x40, v2  }
0x71: {  	v9 =	vor.u32 v7, v8  }
0x72: {  	v9 =	vor.u32 $0x1F, v9;
	_ =	sdelay $0x4  }
0x73: {  	v9 =	vld.idx.msk [tilespmem:v9+s2+$0x0], $0xffff;
	_ =	sdelay $0x4  }
0x74: {  	vm10 =	vlt.f32 v9, v6  }
0x75: {  	v9 =	vsel vm10, $0x20, v2  }
0x76: {  	v8 =	vor.u32 v8, v9  }
0x77: {  	v9 =	vor.u32 v7, v8  }
0x78: {  	v9 =	vor.u32 $0xF, v9;
	_ =	sdelay $0x4  }
0x79: {  	v9 =	vld.idx.msk [tilespmem:v9+s2+$0x0], $0xffff;
	_ =	sdelay $0x4  }
0x7a: {  	vm11 =	vlt.f32 v9, v6  }
0x7b: {  	v9 =	vsel vm11, $0x10, v2  }
0x7c: {  	v9 =	vor.u32 v9, v7  }
0x7d: {  	v8 =	vor.u32 v8, v9  }
0x7e: {  	v9 =	vand.u32 $0x78, v8  }
0x7f: {  	v7 =	vor.u32 v9, v7  }
0x80: {  	v7 =	vor.u32 $0x7, v7;
	_ =	sdelay $0x4  }
0x81: {  	v7 =	vld.idx.msk [tilespmem:v7+s2+$0x0], $0xffff;
	_ =	sdelay $0x4  }
0x82: {  	vm12 =	vlt.f32 v7, v6  }
0x83: {  	v7 =	vsel vm12, $0x8, v2  }
0x84: {  	v7 =	vor.u32 v7, v8  }
0x85: {  	v8 =	vadd.s32 $0x3, v7;
	_ =	sdelay $0x4  }
0x86: {  	v8 =	vld.idx.msk [tilespmem:v8+s2+$0x0], $0xffff;
	_ =	sdelay $0x4  }
0x87: {  	vm13 =	vlt.f32 v8, v6  }
0x88: {  	v8 =	vsel vm13, $0x4, v2  }
0x89: {  	v7 =	vadd.s32 v8, v7  }
0x8a: {  	v8 =	vadd.s32 $0x1, v7;
	_ =	sdelay $0x4  }
0x8b: {  	v8 =	vld.idx.msk [tilespmem:v8+s2+$0x0], $0xffff;
	_ =	sdelay $0x4  }
0x8c: {  	vm14 =	vlt.f32 v8, v6  }
0x8d: {  	v8 =	vsel vm14, $0x2, v2  }
0x8e: {  	v7 =	vadd.s32 v8, v7;
	_ =	sdelay $0x4  }
0x8f: {  	v8 =	vld.idx.msk [tilespmem:v7+s2+$0x0], $0xffff;
	_ =	sdelay $0x4  }
0x90: {  	vm15 =	vlt.f32 v8, v6  }
0x91: {  	p0 =	sne.s32 s1, $0x7C0;
	v6 =	vmov s0;
	v8 =	vsel vm15, $0x1, v2  }
.Ltmp3:
0x92: {  	v6 =	vsub.s32 v8, v6;
	(pc) =	sbr.rel @p0 .LBB2_4-.Ltmp3, $4  }
0x93: {  	v6 =	vadd.s32 v7, v6  }
0x94: {  	v6 =	vadd.s32 v3, v6  }
0x95: {  	s5 =	sshra.s32 s1, $0x2;
	v6 =	vshrl.u32 v6, $0x4  }
0x96: {  	s1 =	sadd.s32 $0x40, s1;
	s0 =	sadd.s32 $0x10, s0;
	[tilespmem:v4+s5+$0x0 ss:$0x1] =	vst.idx.msk $0xffff, v6  }
0x97: {  	s3 =	rddreg [dreg:$0xf]  }
0x98: {  	s4 =	rddreg [dreg:$0xe]  }
0x99: {  	s7 =	rddreg [dreg:$0xd]  }
.Ltmp4:
0x9a: {  	s8 =	rddreg [dreg:$0xc];
	(pc) =	sbr.rel .LBB2_6-.Ltmp4, $4  }
0x9b: {  	s9 =	rddreg [dreg:$0xb]  }
0x9c: {  	s10 =	rddreg [dreg:$0xa]  }
0x9d: {  	s0 =	simm.s32 $0x0;
	s21 =	rddreg [dreg:$0x9]  }
0x9e: {  	v57 =	vimm.f32 $0.0e+00;
	s29 =	simm.s32 $0x0;
	s2 =	simm.s32 $0x0;
	[dreg:$0x19] =	wrdreg s0  }
.LBB2_12:
0x9f: {  	s2 =	rddreg [dreg:$0x16]  }
.LBB2_35:
0xa0: {  	p0 =	sgt.s32 s29, $0xFFF;
	s2 =	sadd.s32 $0x1, s2  }
0xa1: {  	s29 =	simm.s32 @p0 $0x0;
	p0 =	sne.s32 s2, $0x64  }
.Ltmp5:
0xa2: {  	_ = 	snop;
	(pc) =	sbr.rel @!p0 .LBB2_36-.Ltmp5, $4  }
0xa3: {  	_ = 	snop  }
0xa4: {  	s21 =	sadd.s32 $0x5, s21  }
0xa5: {  	s10 =	sadd.s32 $0x5, s10;
	s9 =	sadd.s32 $0x5, s9;
	s8 =	sadd.s32 $0x5, s8  }
0xa6: {  	s7 =	sadd.s32 $0x5, s7;
	s4 =	sadd.s32 $0x5, s4;
	s3 =	sadd.s32 $0xFFFFFFFB, s3  }
.LBB2_6:
0xa7: {  	v1 =	vld [tilespmem:$0x1FFF0];
	_ =	sdelay $0x5  }
0xa8: {  	s0 =	smul.u32 $0x5, s2;
	_ =	sdelay $0x1  }
0xa9: {  	v7 =	vld.idx.msk [tilespmem:v1+s0+$0x1800 ss:$0x1], $0xffff  }
0xaa: {  	v8 =	vld.idx.msk [tilespmem:v1+s0+$0x2000 ss:$0x1], $0xffff  }
0xab: {  	v9 =	vld.idx.msk [tilespmem:v1+s0+$0x2800 ss:$0x1], $0xffff  }
0xac: {  	v10 =	vld.idx.msk [tilespmem:v1+s0+$0x3800 ss:$0x1], $0xffff  }
0xad: {  	v11 =	vld.idx.msk [tilespmem:v1+s0+$0x1801 ss:$0x1], $0xffff  }
0xae: {  	(v2sf) =	vpush v7, $0x0;
	v7 =	vld.idx.msk [tilespmem:v1+s0+$0x2001 ss:$0x1], $0xffff  }
0xaf: {  	(v2sf) =	vpush v8, $0x0;
	v8 =	vld.idx.msk [tilespmem:v1+s0+$0x2801 ss:$0x1], $0xffff  }
0xb0: {  	(v2sf) =	vpush v9, $0x0;
	v9 =	vld.idx.msk [tilespmem:v1+s0+$0x3801 ss:$0x1], $0xffff  }
0xb1: {  	(v2sf) =	vpush v10, $0x0;
	v10 =	vld.idx.msk [tilespmem:v1+s0+$0x1802 ss:$0x1], $0xffff  }
0xb2: {  	(v2sf) =	vpush v11, $0x0;
	v11 =	vld.idx.msk [tilespmem:v1+s0+$0x2002 ss:$0x1], $0xffff  }
0xb3: {  	(v2sf) =	vpush v7, $0x0;
	v7 =	vld.idx.msk [tilespmem:v1+s0+$0x2802 ss:$0x1], $0xffff  }
0xb4: {  	(v2sf) =	vpush v8, $0x0;
	v8 =	vld.idx.msk [tilespmem:v1+s0+$0x3802 ss:$0x1], $0xffff  }
0xb5: {  	(v2sf) =	vpush v9, $0x0;
	v9 =	vld.idx.msk [tilespmem:v1+s0+$0x1803 ss:$0x1], $0xffff  }
0xb6: {  	(v2sf) =	vpush v10, $0x0;
	v10 =	vld.idx.msk [tilespmem:v1+s0+$0x2003 ss:$0x1], $0xffff  }
0xb7: {  	(v2sf) =	vpush v11, $0x0;
	v11 =	vld.idx.msk [tilespmem:v1+s0+$0x2803 ss:$0x1], $0xffff  }
0xb8: {  	(v2sf) =	vpush v7, $0x0;
	v7 =	vld.idx.msk [tilespmem:v1+s0+$0x3803 ss:$0x1], $0xffff  }
0xb9: {  	(v2sf) =	vpush v8, $0x0  }
0xba: {  	v8 =	vld.idx.msk [tilespmem:v1+s0+$0x1804 ss:$0x1], $0xffff;
	(v2sf) =	vpush v9, $0x0  }
0xbb: {  	v9 =	vld.idx.msk [tilespmem:v1+s0+$0x2004 ss:$0x1], $0xffff;
	(v2sf) =	vpush v10, $0x0  }
0xbc: {  	v10 =	vld.idx.msk [tilespmem:v1+s0+$0x2804 ss:$0x1], $0xffff;
	(v2sf) =	vpush v11, $0x0  }
0xbd: {  	s1 =	spop (v2sf);
	(v2sf) =	vpush v7, $0x0;
	v7 =	vld.idx.msk [tilespmem:v1+s0+$0x3804 ss:$0x1], $0xffff;
	_ =	sdelay $0x1  }
0xbe: {  	s5 =	spop (v2sf);
	(v2sf) =	vpush v8, $0x0  }
0xbf: {  	[dreg:$0x15] =	wrdreg s10;
	s6 =	spop (v2sf);
	(v2sf) =	vpush v9, $0x0  }
0xc0: {  	[dreg:$0x12] =	wrdreg s7;
	s7 =	spop (v2sf);
	(v2sf) =	vpush v10, $0x0  }
0xc1: {  	[dreg:$0x14] =	wrdreg s9;
	s9 =	spop (v2sf);
	(v2sf) =	vpush v7, $0x0  }
0xc2: {  	[dreg:$0x13] =	wrdreg s8;
	s15 =	spop (v2sf)  }
0xc3: {  	[dreg:$0x11] =	wrdreg s3;
	s16 =	spop (v2sf)  }
0xc4: {  	[dreg:$0x16] =	wrdreg s2;
	s8 =	spop (v2sf)  }
0xc5: {  	s10 =	smov.u32 s4;
	s11 =	rddreg [dreg:$0x2];
	s18 =	spop (v2sf)  }
0xc6: {  	s0 =	sadd.s32 s11, s0;
	s1 =	sadd.f32 s1, s1;
	s4 =	spop (v2sf)  }
0xc7: {  	s13 =	sadd.s32 $0x1, s0;
	s5 =	sadd.f32 s5, s5;
	s2 =	spop (v2sf)  }
0xc8: {  	s12 =	sadd.s32 $0x2, s0;
	s6 =	sadd.f32 s6, s6;
	s19 =	spop (v2sf)  }
0xc9: {  	s11 =	sshll.u32 s7, $0x4;
	s7 =	sadd.f32 s9, s9;
	s26 =	spop (v2sf)  }
0xca: {  	[dreg:$0x17] =	wrdreg s11;
	s28 =	sshll.u32 s8, $0x4;
	s17 =	spop (v2sf)  }
0xcb: {  	s8 =	sadd.s32 s13, s11;
	s11 =	sadd.s32 $0x3, s0;
	s3 =	spop (v2sf)  }
0xcc: {  	[dreg:$0x18] =	wrdreg s28;
	s9 =	sadd.s32 s12, s28;
	s20 =	spop (v2sf)  }
0xcd: {  	p0 =	sgt.s32 s8, s9;
	s28 =	sshll.u32 s19, $0x4;
	s30 =	spop (v2sf)  }
0xce: {  	s9 =	smov.u32 @p0 s8;
	s8 =	sadd.s32 s11, s28;
	s31 =	spop (v2sf)  }
0xcf: {  	s19 =	sadd.s32 $0x4, s0;
	p0 =	sgt.s32 s9, s8;
	s14 =	spop (v2sf)  }
0xd0: {  	s8 =	smov.u32 @p0 s9;
	s20 =	sshll.u32 s20, $0x4;
	s9 =	spop (v2sf)  }
0xd1: {  	[dreg:$0x1a] =	wrdreg s20;
	s20 =	sadd.s32 s19, s20;
	s9 =	sshll.u32 s9, $0x4  }
0xd2: {  	p0 =	sgt.s32 s8, s20;
	[dreg:$0x1b] =	wrdreg s9;
	s9 =	sadd.s32 s9, s0  }
0xd3: {  	s15 =	sadd.f32 s15, s15;
	s20 =	smov.u32 @p0 s8;
	s8 =	sadd.s32 $0x5, s9  }
0xd4: {  	s16 =	sadd.f32 s16, s16;
	p0 =	sgt.s32 s20, s8  }
0xd5: {  	s18 =	sadd.f32 s18, s18;
	s8 =	smov.u32 @p0 s20  }
0xd6: {  	s4 =	sadd.f32 s4, s4;
	s20 =	ssub.s32 s8, s0  }
0xd7: {  	v8 =	vmov s5;
	s2 =	sadd.f32 s2, s2;
	s5 =	sadd.s32 $0xE, s20  }
0xd8: {  	s17 =	sadd.f32 s17, s17;
	s5 =	sshrl.u32 s5, $0x4  }
0xd9: {  	v9 =	vmov s6;
	s3 =	sadd.f32 s3, s3;
	s6 =	sand.u32 $0xFFFFFFE, s5  }
0xda: {  	v13 =	vmov s13;
	v19 =	vmov s12;
	s9 =	sadd.f32 s26, s26;
	p0 =	seq.s32 s6, $0x0  }
.Ltmp6:
0xdb: {  	v14 =	vld.msk [tilespmem:s0+$0x3000 ss:$0x0], $0xffff;
	v7 =	vmov s1;
	v10 =	vmov s7;
	v11 =	vmov s15;
	s26 =	sadd.f32 s30, s30;
	(pc) =	sbr.rel @p0 .LBB2_7-.Ltmp6, $4  }
0xdc: {  	v18 =	vld.msk [tilespmem:s0+$0x3001 ss:$0x0], $0xffff;
	v12 =	vmov s16;
	v24 =	vmov s11;
	v15 =	vmov s18;
	s30 =	sadd.f32 s31, s31  }
0xdd: {  	v21 =	vld.msk [tilespmem:s0+$0x3002 ss:$0x0], $0xffff;
	v16 =	vmov s4;
	v17 =	vmov s2;
	v30 =	vmov s19;
	s31 =	sadd.f32 s14, s14  }
0xde: {  	v26 =	vld.msk [tilespmem:s0+$0x3003 ss:$0x0], $0xffff;
	v22 =	vmov s17;
	v23 =	vmov s3;
	v20 =	vmov s9  }
0xdf: {  	v29 =	vld.msk [tilespmem:s0+$0x3004 ss:$0x0], $0xffff;
	v25 =	vmov s26;
	v27 =	vmov s30;
	v28 =	vmov s31  }
0xe0: {  	s0 =	sadd.s32 $0xFFFFFFF0, s21  }
0xe1: {  	v53 =	vadd.s32 s0, v0;
	_ =	sdelay $0x4  }
0xe2: {  	v33 =	vld.idx.msk [tilespmem:v53+s23+$0x0], $0xffff  }
0xe3: {  	v45 =	vld.idx.msk [tilespmem:v53+s22+$0x0], $0xffff;
	_ =	sdelay $0x1  }
0xe4: {  	v38 =	vld.idx.msk [tilespmem:v53+s24+$0x0], $0xffff  }
0xe5: {  	v36 =	vld.idx.msk [tilespmem:v53+s25+$0x0], $0xffff;
	_ =	sdelay $0x1  }
0xe6: {  	v31 =	vmul.f32 v33, v8;
	v32 =	vmul.f32 v45, v7  }
0xe7: {  	v34 =	vmul.f32 v33, v11  }
0xe8: {  	v35 =	vmul.f32 v38, v9;
	v61 =	vmul.f32 v45, v10;
	v31 =	vadd.f32 v31, v32  }
0xe9: {  	vm8 =	vgt.s32 v53, v19;
	v39 =	vadd.f32 v36, v14  }
0xea: {  	v62 =	vmul.f32 v38, v12;
	v34 =	vadd.f32 v34, v61;
	v31 =	vadd.f32 v35, v31  }
0xeb: {  	p1 =	sgt.u32 s6, $0x2;
	vm4 =	vgt.s32 v53, v24;
	v37 =	vadd.f32 v36, v18;
	v43 =	vadd.f32 v36, v21  }
.Ltmp7:
0xec: {  	v47 =	vmul.f32 v33, v27;
	v32 =	vsub.f32 v39, v31;
	v31 =	vadd.f32 v62, v34;
	(pc) =	sbr.rel @!p1 .LBB2_14-.Ltmp7, $4  }
0xed: {  	v40 =	vmul.f32 v33, v22;
	v46 =	vadd.f32 v36, v26;
	v63 =	vmul.f32 v45, v20  }
0xee: {  	v50 =	vmul.f32 v45, v15;
	v49 =	vmul.f32 v38, v17;
	v31 =	vsub.f32 v37, v31  }
0xef: {  	v54 =	vmul.f32 v33, v16;
	v52 =	vadd.f32 v40, v63;
	vm2 =	vlt.f32 v32, $1.599999960e-03  }
0xf0: {  	p0 =	por $0x0, $0x0;
	s4 =	smov.u32 s10;
	s0 =	sadd.s32 $0x20, s21;
	v37 =	vadd.s32 s21, v0;
	v51 =	vmpcnt.ones.xlane vm2;
	vm12 =	vlt.f32 v31, $1.599999960e-03  }
0xf1: {  	_ =	sdelay $0x2  }
0xf2: {  	[tilespmem:$0x1FFC0] =	vst v57  }
0xf3: {  	v33 =	vadd.f32 v54, v50;
	v34 =	vmul.f32 v45, v25;
	v35 =	vmul.f32 v38, v28;
	v41 =	vld.idx.msk [tilespmem:v37+s24+$0x0], $0xffff  }
0xf4: {  	v60 =	vmul.f32 v38, v23;
	v36 =	vadd.f32 v36, v29;
	vm3 =	vgt.s32 v53, v30;
	v42 =	vld.idx.msk [tilespmem:v37+s22+$0x0], $0xffff  }
0xf5: {  	vm9 =	vgt.s32 v37, v24;
	vm11 =	vgt.s32 v37, v30;
	v44 =	vld.idx.msk [tilespmem:v37+s23+$0x0], $0xffff;
	v33 =	vadd.f32 v49, v33  }
0xf6: {  	s1 =	sadd.s32 $0xFFFFFFF0, s0;
	vm10 =	vgt.s32 v37, v13;
	v40 =	vld.idx.msk [tilespmem:v37+s25+$0x0], $0xffff;
	v34 =	vadd.f32 v47, v34;
	v61 =	vadd.f32 v60, v52  }
0xf7: {  	v39 =	vadd.s32 s1, v0;
	(v2sf) =	vpush v51, $0x0;
	v33 =	vsub.f32 v43, v33  }
0xf8: {  	v34 =	vadd.f32 v35, v34;
	v35 =	vsub.f32 v46, v61;
	v51 =	vmul.f32 v41, v12  }
0xf9: {  	vm0 =	vlt.f32 v33, $1.599999960e-03;
	v52 =	vmul.f32 v41, v17;
	v63 =	vmul.f32 v42, v7  }
0xfa: {  	v34 =	vsub.f32 v36, v34;
	v46 =	vmul.f32 v41, v9;
	v47 =	vmul.f32 v44, v8  }
0xfb: {  	v49 =	vadd.f32 v40, v14;
	v50 =	vmul.f32 v42, v10;
	v60 =	vmul.f32 v42, v20  }
0xfc: {  	v54 =	vadd.f32 v40, v21;
	v61 =	vmul.f32 v41, v28;
	v4 =	vmul.f32 v44, v22  }
0xfd: {  	v6 =	vmul.f32 v41, v23;
	vm1 =	vmand vm8, vm0;
	vm0 =	vgt.s32 v53, v13  }
0xfe: {  	v53 =	vadd.f32 v40, v26;
	vm8 =	vgt.s32 v39, v19;
	v62 =	vmpcnt.ones.xlane vm1  }
0xff: {  	vm12 =	vmand vm0, vm12;
	vm0 =	vlt.f32 v34, $1.599999960e-03;
	v57 =	vadd.f32 v47, v63  }
0x100: {  	v36 =	vld.idx.msk [tilespmem:v39+s25+$0x0], $0xffff;
	v63 =	vadd.f32 v40, v18;
	v4 =	vadd.f32 v4, v60;
	vm3 =	vmand vm3, vm0  }
0x101: {  	v48 =	vld.idx.msk [tilespmem:v39+s23+$0x0], $0xffff;
	vm0 =	vlt.f32 v35, $1.599999960e-03;
	v3 =	vmpcnt.ones.xlane vm12;
	(v2sf) =	vpush v62, $0x0  }
0x102: {  	v55 =	vmpcnt.ones.xlane vm3;
	vm5 =	vmand vm4, vm0;
	v41 =	vadd.f32 v46, v57  }
0x103: {  	v46 =	vmul.f32 v44, v11;
	v57 =	vmul.f32 v44, v16;
	vm0 =	vgt.s32 v37, v19  }
0x104: {  	v38 =	vld.idx.msk [tilespmem:v39+s24+$0x0], $0xffff;
	v44 =	vmul.f32 v44, v27;
	v37 =	vadd.f32 v40, v29;
	v4 =	vadd.f32 v6, v4  }
0x105: {  	v45 =	vld.idx.msk [tilespmem:v39+s22+$0x0], $0xffff;
	vm4 =	vgt.s32 v39, v24;
	v56 =	vadd.f32 v36, v18;
	v58 =	vadd.f32 v36, v14  }
0x106: {  	v59 =	vmul.f32 v48, v11;
	v43 =	vadd.f32 v36, v21;
	v62 =	vmul.f32 v48, v8  }
0x107: {  	v47 =	vmul.f32 v48, v27;
	v1 =	vmul.f32 v48, v22;
	(v2sf) =	vpush v3, $0x0  }
0x108: {  	v3 =	vmul.f32 v42, v15;
	v42 =	vmul.f32 v42, v25;
	v2 =	vadd.f32 v46, v50  }
0x109: {  	v60 =	vmul.f32 v38, v9;
	v46 =	vadd.f32 v36, v26;
	(v2sf) =	vpush v55, $0x0  }
0x10a: {  	v50 =	vmul.f32 v45, v15;
	v40 =	vsub.f32 v49, v41;
	v3 =	vadd.f32 v57, v3  }
0x10b: {  	v49 =	vmul.f32 v38, v17;
	v55 =	vmul.f32 v45, v7;
	v2 =	vadd.f32 v51, v2  }
0x10c: {  	v44 =	vadd.f32 v44, v42;
	vm6 =	vlt.f32 v40, $1.599999960e-03;
	v3 =	vadd.f32 v52, v3  }
0x10d: {  	v57 =	vadd.f32 v62, v55;
	v42 =	vsub.f32 v63, v2;
	v2 =	vmpcnt.ones.xlane vm5  }
0x10e: {  	v62 =	vmpcnt.ones.xlane vm6;
	v63 =	vmul.f32 v38, v12;
	v41 =	vsub.f32 v54, v3  }
0x10f: {  	v3 =	vadd.f32 v61, v44;
	v61 =	vmul.f32 v45, v10;
	(v2sf) =	vpush v2, $0x0  }
0x110: {  	v44 =	vsub.f32 v53, v4;
	v54 =	vmul.f32 v48, v16;
	v4 =	vmul.f32 v45, v20  }
0x111: {  	s31 =	spop (v2sf);
	v2 =	vadd.f32 v60, v57;
	vm7 =	vlt.f32 v41, $1.599999960e-03;
	v6 =	vadd.f32 v59, v61  }
0x112: {  	p1 =	sgt.u32 s6, $0x4;
	[tilespmem:s29+$0x4000] =	vst.msk vm2, v32;
	s2 =	sadd.s32 s29, s31;
	(v2sf) =	vpush v62, $0x0;
	v48 =	vsub.f32 v37, v3;
	vm7 =	vmand vm0, vm7  }
.Ltmp8:
0x113: {  	[tilespmem:s2+$0x4000] =	vst.msk vm12, v31;
	vm0 =	vlt.f32 v42, $1.599999960e-03;
	v32 =	vsub.f32 v58, v2;
	v2 =	vadd.f32 v63, v6;
	(pc) =	sbr.rel @!p1 .LBB2_16-.Ltmp8, $4  }
0x114: {  	v37 =	vadd.s32 s0, v0;
	v52 =	vadd.f32 v1, v4;
	s7 =	rddreg [dreg:$0x12];
	vm10 =	vmand vm10, vm0  }
0x115: {  	p0 =	por $0x1, $0x1;
	s8 =	rddreg [dreg:$0x13];
	vm0 =	vlt.f32 v44, $1.599999960e-03;
	v55 =	vmpcnt.ones.xlane vm7;
	v31 =	vsub.f32 v56, v2;
	s18 =	spop (v2sf)  }
0x116: {  	s1 =	simm.s32 $0x4;
	s9 =	rddreg [dreg:$0x14];
	vm2 =	vlt.f32 v32, $1.599999960e-03;
	vm9 =	vmand vm9, vm0;
	vm0 =	vlt.f32 v48, $1.599999960e-03;
	s3 =	spop (v2sf)  }
0x117: {  	s0 =	sadd.s32 $0x20, s0;
	s10 =	rddreg [dreg:$0x15];
	v51 =	vmpcnt.ones.xlane vm2;
	v56 =	vmpcnt.ones.xlane vm10;
	vm12 =	vlt.f32 v31, $1.599999960e-03;
	s15 =	sadd.s32 s2, s3  }
.LBB2_17:
0x118: {  	s2 =	sadd.s32 $0xFFFFFFF0, s0;
	s1 =	sadd.s32 $0x2, s1;
	v1 =	vadd.f32 v54, v50;
	v2 =	vmul.f32 v45, v25;
	v3 =	vmpcnt.ones.xlane vm9;
	s16 =	spop (v2sf)  }
0x119: {  	vm14 =	vmand vm11, vm0;
	v4 =	vadd.s32 s2, v0;
	p1 =	slt.u32 s1, s6;
	(v2sf) =	vpush v56, $0x0  }
0x11a: {  	v6 =	vmpcnt.ones.xlane vm14;
	v1 =	vadd.f32 v49, v1;
	(v2sf) =	vpush v55, $0x0  }
0x11b: {  	v45 =	vmul.f32 v38, v28;
	v2 =	vadd.f32 v47, v2;
	v49 =	vld.idx.msk [tilespmem:v37+s25+$0x0], $0xffff;
	(v2sf) =	vpush v3, $0x0  }
0x11c: {  	v1 =	vsub.f32 v43, v1;
	v3 =	vld.idx.msk [tilespmem:v37+s24+$0x0], $0xffff;
	(v2sf) =	vpush v6, $0x0  }
0x11d: {  	v6 =	vmul.f32 v38, v23;
	v38 =	vadd.f32 v36, v29;
	v2 =	vadd.f32 v45, v2;
	v50 =	vld.idx.msk [tilespmem:v37+s22+$0x0], $0xffff  }
0x11e: {  	vm0 =	vgt.s32 v39, v30;
	s2 =	sadd.s32 s15, s18;
	vm11 =	vlt.f32 v1, $1.599999960e-03;
	v53 =	vld.idx.msk [tilespmem:v37+s23+$0x0], $0xffff;
	[tilespmem:s15+$0x4000] =	vst.msk vm1, v33;
	s3 =	spop (v2sf);
	v33 =	vmov v1  }
0x11f: {  	v1 =	vadd.f32 v6, v52;
	v2 =	vsub.f32 v38, v2;
	v36 =	vld.idx.msk [tilespmem:v4+s25+$0x0], $0xffff;
	vm1 =	vmand vm8, vm11;
	[tilespmem:s2+$0x4000] =	vst.msk vm5, v35;
	s2 =	sadd.s32 s2, s3  }
0x120: {  	vm5 =	vgt.s32 v39, v13;
	v39 =	vmovc v4;
	v38 =	vld.idx.msk [tilespmem:v4+s24+$0x0], $0xffff;
	v6 =	vmpcnt.ones.xlane vm1;
	(v2sf) =	vpush v51, $0x0;
	[tilespmem:s2+$0x4000] =	vst.msk vm3, v34  }
0x121: {  	vm13 =	vmand vm5, vm12;
	v35 =	vsub.f32 v46, v1;
	vm12 =	vgt.s32 v37, v24;
	v34 =	vmovc v2;
	v51 =	vld.idx.msk [tilespmem:v4+s23+$0x0], $0xffff;
	s3 =	spop (v2sf)  }
0x122: {  	v1 =	vmul.f32 v3, v12;
	v2 =	vmul.f32 v3, v17;
	v45 =	vld.idx.msk [tilespmem:v4+s22+$0x0], $0xffff;
	(v2sf) =	vpush v6, $0x0  }
0x123: {  	v52 =	vadd.f32 v49, v26;
	v4 =	vmul.f32 v50, v7;
	v6 =	vmul.f32 v3, v9  }
0x124: {  	v54 =	vadd.f32 v49, v14;
	vm3 =	vlt.f32 v34, $1.599999960e-03;
	v43 =	vmul.f32 v53, v8  }
0x125: {  	v55 =	vadd.f32 v49, v21;
	vm3 =	vmand vm0, vm3;
	v46 =	vmul.f32 v50, v10  }
0x126: {  	v57 =	vmpcnt.ones.xlane vm3;
	v56 =	vadd.f32 v36, v18;
	v4 =	vadd.f32 v43, v4  }
0x127: {  	s2 =	sadd.s32 s2, s16;
	vm0 =	vlt.f32 v35, $1.599999960e-03;
	v58 =	vadd.f32 v36, v14;
	v59 =	vmul.f32 v51, v11  }
0x128: {  	v61 =	vmul.f32 v3, v28;
	v60 =	vmul.f32 v50, v20;
	v43 =	vadd.f32 v36, v21;
	[tilespmem:s2+$0x4000] =	vst.msk vm6, v40;
	s2 =	sadd.s32 s2, s3;
	s3 =	spop (v2sf)  }
0x129: {  	v63 =	vadd.f32 v49, v18;
	v62 =	vmul.f32 v51, v8;
	v47 =	vmul.f32 v51, v27;
	[tilespmem:s2+$0x4000] =	vst.msk vm10, v42;
	s2 =	sadd.s32 s2, s3;
	s3 =	spop (v2sf)  }
0x12a: {  	vm11 =	vgt.s32 v37, v30;
	v5 =	vmul.f32 v51, v22;
	v40 =	vmpcnt.ones.xlane vm13;
	[tilespmem:s2+$0x4000] =	vst.msk vm7, v41;
	s2 =	sadd.s32 s2, s3;
	s3 =	spop (v2sf)  }
0x12b: {  	v3 =	vmul.f32 v3, v23;
	vm5 =	vmand vm4, vm0;
	v41 =	vmul.f32 v53, v22;
	[tilespmem:s2+$0x4000] =	vst.msk vm9, v44;
	s2 =	sadd.s32 s2, s3;
	s3 =	spop (v2sf)  }
0x12c: {  	v4 =	vadd.f32 v6, v4;
	v6 =	vmul.f32 v53, v11;
	(v2sf) =	vpush v40, $0x0;
	[tilespmem:s2+$0x4000] =	vst.msk vm14, v48;
	s2 =	sadd.s32 s2, s3  }
0x12d: {  	vm8 =	vgt.s32 v39, v19;
	v40 =	vmul.f32 v53, v16;
	[tilespmem:s2+$0x4000] =	vst.msk vm2, v32;
	v32 =	vmul.f32 v50, v15  }
0x12e: {  	vm0 =	vgt.s32 v37, v19;
	v6 =	vadd.f32 v6, v46;
	v42 =	vmul.f32 v50, v25  }
0x12f: {  	v46 =	vadd.f32 v36, v26;
	v44 =	vmul.f32 v38, v9;
	v48 =	vmul.f32 v53, v27;
	s3 =	spop (v2sf)  }
0x130: {  	v53 =	vadd.f32 v49, v29;
	vm2 =	vgt.s32 v37, v13;
	v37 =	vadd.f32 v41, v60  }
0x131: {  	v50 =	vmul.f32 v45, v15;
	v32 =	vadd.f32 v40, v32;
	s18 =	spop (v2sf);
	(v2sf) =	vpush v57, $0x0  }
0x132: {  	v1 =	vadd.f32 v1, v6;
	v49 =	vmul.f32 v38, v17;
	v40 =	vsub.f32 v54, v4  }
0x133: {  	vm4 =	vgt.s32 v39, v24;
	v4 =	vadd.f32 v48, v42;
	v2 =	vadd.f32 v2, v32  }
0x134: {  	v6 =	vmul.f32 v45, v7;
	v42 =	vsub.f32 v63, v1;
	vm6 =	vlt.f32 v40, $1.599999960e-03  }
0x135: {  	v1 =	vmpcnt.ones.xlane vm5;
	v41 =	vsub.f32 v55, v2;
	v2 =	vadd.f32 v61, v4  }
0x136: {  	v48 =	vmpcnt.ones.xlane vm6;
	v4 =	vadd.f32 v62, v6;
	v6 =	vmul.f32 v45, v10  }
0x137: {  	v3 =	vadd.f32 v3, v37;
	s2 =	sadd.s32 s2, s3;
	vm7 =	vlt.f32 v41, $1.599999960e-03;
	(v2sf) =	vpush v1, $0x0  }
0x138: {  	vm9 =	vlt.f32 v42, $1.599999960e-03;
	vm7 =	vmand vm0, vm7;
	v1 =	vadd.f32 v44, v4;
	[tilespmem:s2+$0x4000] =	vst.msk vm13, v31  }
0x139: {  	v4 =	vadd.f32 v59, v6;
	v6 =	vmul.f32 v38, v12;
	v44 =	vsub.f32 v52, v3  }
0x13a: {  	vm10 =	vmand vm2, vm9;
	v32 =	vsub.f32 v58, v1;
	(v2sf) =	vpush v48, $0x0  }
.Ltmp9:
0x13b: {  	v54 =	vmul.f32 v51, v16;
	v1 =	vadd.f32 v6, v4;
	vm0 =	vlt.f32 v44, $1.599999960e-03;
	s3 =	spop (v2sf);
	(pc) =	sbr.rel @p1 .LBB2_17-.Ltmp9, $4  }
0x13c: {  	v3 =	vmul.f32 v45, v20;
	v55 =	vmpcnt.ones.xlane vm7;
	vm2 =	vlt.f32 v32, $1.599999960e-03  }
0x13d: {  	v48 =	vsub.f32 v53, v2;
	v31 =	vsub.f32 v56, v1;
	v51 =	vmpcnt.ones.xlane vm2  }
0x13e: {  	v37 =	vadd.s32 s0, v0;
	vm9 =	vmand vm12, vm0;
	v56 =	vmpcnt.ones.xlane vm10  }
0x13f: {  	s0 =	sadd.s32 $0x20, s0;
	v52 =	vadd.f32 v5, v3;
	s15 =	sadd.s32 s2, s3;
	vm0 =	vlt.f32 v48, $1.599999960e-03;
	vm12 =	vlt.f32 v31, $1.599999960e-03  }
0x140: {  	v57 =	vld [tilespmem:$0x1FFC0];
	_ =	sdelay $0x1  }
0x141: {  	v53 =	vmov v39  }
.LBB2_19:
0x142: {  	v1 =	vadd.f32 v54, v50;
	v2 =	vmul.f32 v45, v25  }
0x143: {  	(v2sf) =	vpush @p0 v56, $0x0;
	vm0 =	vmand @p0 vm11, vm0;
	v4 =	vimm.s32 $0x0  }
0x144: {  	v3 =	vmpcnt.ones.xlane @p0 vm9;
	v36 =	vadd.f32 v36, v29;
	v4 =	vsel vm0, $0xFFFFFFFF, v4  }
0x145: {  	vm13 =	vgt.s32 v53, v30;
	vm14 =	vgt.s32 v53, v13;
	(v2sf) =	vpush @p0 v55, $0x0;
	[tilespmem:$0x1FF90] =	vst v4  }
0x146: {  	v6 =	vmpcnt.ones.xlane @p0 vm0;
	v1 =	vadd.f32 v49, v1;
	v2 =	vadd.f32 v47, v2;
	v5 =	vld.idx.msk [tilespmem:v37+s22+$0x0], $0xffff  }
0x147: {  	v4 =	vmul.f32 v38, v28;
	(v2sf) =	vpush @p0 v3, $0x0;
	v3 =	vmul.f32 v38, v23;
	v38 =	vld.idx.msk [tilespmem:v37+s23+$0x0], $0xffff  }
0x148: {  	vm0 =	vgt.s32 v37, v24;
	(v2sf) =	vpush @p0 v6, $0x0;
	v1 =	vsub.f32 v43, v1  }
0x149: {  	v6 =	vimm.s32 $0x0;
	v2 =	vadd.f32 v4, v2;
	v3 =	vadd.f32 v3, v52  }
0x14a: {  	v39 =	vld.idx.msk [tilespmem:v37+s24+$0x0], $0xffff;
	v4 =	vimm.s32 $0x0;
	(v2sf) =	vpush v51, $0x0;
	vm15 =	vlt.f32 v1, $1.599999960e-03  }
0x14b: {  	v2 =	vsub.f32 v36, v2;
	v3 =	vsub.f32 v46, v3;
	vm8 =	vmand vm8, vm15  }
0x14c: {  	v4 =	vsel vm8, $0xFFFFFFFF, v4;
	v53 =	vmul.f32 v38, v8;
	v54 =	vmul.f32 v5, v10  }
0x14d: {  	vm15 =	vlt.f32 v2, $1.599999960e-03;
	v55 =	vmul.f32 v5, v20;
	v58 =	vmul.f32 v38, v22  }
0x14e: {  	v59 =	vmul.f32 v5, v15;
	[tilespmem:$0x1FFB0] =	vst v4;
	v4 =	vmpcnt.ones.xlane vm8;
	vm8 =	vmand vm14, vm12  }
0x14f: {  	v60 =	vmul.f32 v38, v16;
	v62 =	vmul.f32 v39, v17;
	v6 =	vsel vm8, $0xFFFFFFFF, v6  }
0x150: {  	s0 =	spop @p0 (v2sf);
	vm13 =	vmand vm13, vm15;
	vm12 =	vlt.f32 v3, $1.599999960e-03;
	[tilespmem:$0x1FFA0] =	vst v6;
	v6 =	vmul.f32 v5, v7  }
0x151: {  	s1 =	sadd.s32 @p0 s15, s18;
	s2 =	spop @p0 (v2sf);
	v56 =	vmpcnt.ones.xlane vm8;
	v61 =	vmpcnt.ones.xlane vm13;
	vm11 =	vmand vm4, vm12  }
0x152: {  	s2 =	sadd.s32 @p0 s1, s2;
	(v2sf) =	vpush v4, $0x0;
	v4 =	vmul.f32 v39, v9;
	v45 =	vld.idx.msk [tilespmem:v37+s25+$0x0], $0xffff;
	v6 =	vadd.f32 v53, v6  }
0x153: {  	s0 =	sadd.s32 @p0 s2, s0;
	v36 =	vadd.f32 v58, v55;
	v47 =	vadd.f32 v60, v59;
	v58 =	vmpcnt.ones.xlane vm11;
	[tilespmem:s15+$0x4000] =	vst.msk @p0 vm1, v33  }
0x154: {  	(v2sf) =	vpush v56, $0x0;
	[tilespmem:s0+$0x4000] =	vst.msk @p0 vm6, v40;
	v4 =	vadd.f32 v4, v6;
	v6 =	vmul.f32 v38, v11  }
0x155: {  	v43 =	vmul.f32 v39, v12;
	v47 =	vadd.f32 v62, v47;
	(v2sf) =	vpush v61, $0x0;
	[tilespmem:s1+$0x4000] =	vst.msk @p0 vm5, v35;
	s1 =	spop @p0 (v2sf)  }
0x156: {  	v5 =	vmul.f32 v5, v25;
	(v2sf) =	vpush v58, $0x0;
	[tilespmem:s2+$0x4000] =	vst.msk @p0 vm3, v34;
	s1 =	sadd.s32 @p0 s0, s1;
	s2 =	spop @p0 (v2sf);
	v6 =	vadd.f32 v6, v54  }
0x157: {  	v38 =	vmul.f32 v38, v27;
	[tilespmem:s1+$0x4000] =	vst.msk @p0 vm10, v42;
	s0 =	spop @p0 (v2sf);
	s2 =	sadd.s32 @p0 s1, s2;
	v63 =	vadd.f32 v45, v14;
	v52 =	vadd.f32 v45, v26  }
0x158: {  	v53 =	vadd.f32 v45, v21;
	v54 =	vmul.f32 v39, v28;
	v55 =	vadd.f32 v45, v18;
	s0 =	sadd.s32 @p0 s2, s0;
	[tilespmem:s2+$0x4000] =	vst.msk @p0 vm7, v41  }
0x159: {  	v39 =	vmul.f32 v39, v23;
	v5 =	vadd.f32 v38, v5;
	v56 =	vadd.f32 v45, v29;
	[tilespmem:s0+$0x4000] =	vst.msk @p0 vm9, v44  }
0x15a: {  	vm14 =	vgt.s32 v37, v19;
	v6 =	vadd.f32 v43, v6;
	v47 =	vsub.f32 v53, v47;
	v33 =	vld [tilespmem:$0x1FF90]  }
0x15b: {  	vm4 =	vgt.s32 v37, v13;
	s1 =	spop @p0 (v2sf);
	v4 =	vsub.f32 v63, v4;
	v36 =	vadd.f32 v39, v36  }
0x15c: {  	s2 =	spop @p0 (v2sf);
	s1 =	sadd.s32 @p0 s0, s1;
	v5 =	vadd.f32 v54, v5;
	v6 =	vsub.f32 v55, v6;
	vm15 =	vlt.f32 v47, $1.599999960e-03  }
0x15d: {  	s2 =	sadd.s32 @p0 s1, s2;
	v36 =	vsub.f32 v52, v36;
	vm14 =	vmand vm14, vm15;
	vm15 =	vlt.f32 v4, $1.599999960e-03  }
0x15e: {  	s29 =	smov.u32 @p0 s2;
	v5 =	vsub.f32 v56, v5;
	vm8 =	vlt.f32 v6, $1.599999960e-03;
	v59 =	vmpcnt.ones.xlane vm15  }
0x15f: {  	[tilespmem:s29+$0x4000] =	vst.msk vm2, v32;
	vm12 =	vlt.f32 v36, $1.599999960e-03;
	vm8 =	vmand vm4, vm8;
	vm1 =	vnez.u8 v33  }
0x160: {  	v61 =	vmpcnt.ones.xlane vm14;
	vm4 =	vmand vm0, vm12;
	v60 =	vmpcnt.ones.xlane vm8;
	[tilespmem:s1+$0x4000] =	vst.msk @p0 vm1, v48  }
0x161: {  	vm0 =	vgt.s32 v37, v30;
	vm12 =	vlt.f32 v5, $1.599999960e-03;
	(v2sf) =	vpush v59, $0x0;
	v32 =	vld [tilespmem:$0x1FFA0]  }
0x162: {  	vm0 =	vmand vm0, vm12;
	v62 =	vmpcnt.ones.xlane vm4;
	(v2sf) =	vpush v60, $0x0  }
0x163: {  	v63 =	vmpcnt.ones.xlane vm0;
	(v2sf) =	vpush v61, $0x0  }
0x164: {  	(v2sf) =	vpush v62, $0x0  }
0x165: {  	s15 =	spop (v2sf);
	(v2sf) =	vpush v63, $0x0  }
0x166: {  	s0 =	sadd.s32 s29, s15;
	vm10 =	vnez.u8 v32  }
0x167: {  	[tilespmem:s0+$0x4000] =	vst.msk vm10, v31  }
0x168: {  	v31 =	vld [tilespmem:$0x1FFB0];
	_ =	sdelay $0x2  }
0x169: {  	s16 =	spop (v2sf)  }
0x16a: {  	s17 =	spop (v2sf)  }
0x16b: {  	s3 =	spop (v2sf);
	s0 =	sadd.s32 s0, s17;
	vm12 =	vnez.u8 v31  }
0x16c: {  	s18 =	spop (v2sf);
	[tilespmem:s0+$0x4000] =	vst.msk vm12, v1;
	s0 =	sadd.s32 s0, s16  }
0x16d: {  	[tilespmem:s0+$0x4000] =	vst.msk vm11, v3;
	s0 =	sadd.s32 s0, s18  }
0x16e: {  	s19 =	spop (v2sf);
	[tilespmem:s0+$0x4000] =	vst.msk vm13, v2;
	s0 =	sadd.s32 s0, s3  }
.Ltmp10:
0x16f: {  	[tilespmem:s0+$0x4000] =	vst.msk vm15, v4;
	s0 =	sadd.s32 s0, s19;
	s20 =	spop (v2sf);
	(pc) =	sbr.rel .LBB2_8-.Ltmp10, $4  }
0x170: {  	[tilespmem:s0+$0x4000] =	vst.msk vm8, v6;
	s0 =	sadd.s32 s0, s20;
	s26 =	spop (v2sf)  }
0x171: {  	[tilespmem:s0+$0x4000] =	vst.msk vm14, v47;
	s0 =	sadd.s32 s0, s26;
	s30 =	spop (v2sf)  }
0x172: {  	[tilespmem:s0+$0x4000] =	vst.msk vm4, v36;
	s0 =	sadd.s32 s0, s30;
	s31 =	spop (v2sf)  }
0x173: {  	[tilespmem:s0+$0x4000] =	vst.msk vm0, v5;
	s29 =	sadd.s32 s0, s31  }
.LBB2_7:
0x174: {  	s7 =	rddreg [dreg:$0x12]  }
0x175: {  	s8 =	rddreg [dreg:$0x13]  }
0x176: {  	s9 =	rddreg [dreg:$0x14]  }
0x177: {  	s4 =	smov.u32 s10;
	s10 =	rddreg [dreg:$0x15]  }
.LBB2_8:
0x178: {  	p0 =	seq.s32 s6, s5  }
.Ltmp11:
0x179: {  	_ = 	snop;
	(pc) =	sbr.rel @p0 .LBB2_11-.Ltmp11, $2  }
0x17a: {  	_ =	sdelay $0x2  }
0x17b: {  	s3 =	rddreg [dreg:$0x11]  }
0x17c: {  	s0 =	rddreg [dreg:$0x1b]  }
0x17d: {  	s1 =	rddreg [dreg:$0x1a]  }
0x17e: {  	s0 =	sadd.s32 s0, s9;
	s1 =	sadd.s32 s1, s8  }
0x17f: {  	p0 =	sgt.s32 s0, s1  }
0x180: {  	s1 =	smov.u32 @p0 s0;
	s0 =	sadd.s32 s28, s7  }
0x181: {  	s30 =	rddreg [dreg:$0x18];
	p0 =	sgt.s32 s1, s0  }
0x182: {  	s0 =	smov.u32 @p0 s1;
	s1 =	sadd.s32 s30, s4  }
0x183: {  	s31 =	rddreg [dreg:$0x17];
	p0 =	sgt.s32 s0, s1  }
0x184: {  	s1 =	smov.u32 @p0 s0;
	s0 =	sadd.s32 s31, s10  }
0x185: {  	p0 =	sgt.s32 s1, s0  }
0x186: {  	s0 =	smov.u32 @p0 s1  }
0x187: {  	s0 =	sadd.s32 s3, s0  }
0x188: {  	s0 =	sand.u32 $0xFFFFFFE0, s0  }
0x189: {  	s0 =	sadd.s32 s0, s10  }
.LBB2_10:
0x18a: {  	v1 =	vadd.s32 s0, v0;
	_ =	sdelay $0x4  }
0x18b: {  	v2 =	vld.idx.msk [tilespmem:v1+s22+$0x0], $0xffff  }
0x18c: {  	v3 =	vld.idx.msk [tilespmem:v1+s23+$0x0], $0xffff;
	_ =	sdelay $0x1  }
0x18d: {  	v4 =	vld.idx.msk [tilespmem:v1+s24+$0x0], $0xffff;
	_ =	sdelay $0x1  }
0x18e: {  	v5 =	vld.idx.msk [tilespmem:v1+s25+$0x0], $0xffff  }
0x18f: {  	v6 =	vmul.f32 v2, v7;
	v31 =	vmul.f32 v3, v8;
	_ =	sdelay $0x1  }
0x190: {  	v6 =	vadd.f32 v31, v6;
	v31 =	vmul.f32 v4, v9;
	_ =	sdelay $0x1  }
0x191: {  	v32 =	vadd.f32 v5, v14;
	v6 =	vadd.f32 v31, v6  }
0x192: {  	v54 =	vmul.f32 v2, v10  }
0x193: {  	v33 =	vmul.f32 v3, v11;
	v34 =	vmul.f32 v2, v15;
	v6 =	vsub.f32 v32, v6  }
0x194: {  	v35 =	vmul.f32 v3, v16;
	v55 =	vmul.f32 v4, v12  }
0x195: {  	v56 =	vadd.f32 v5, v18;
	v58 =	vmul.f32 v4, v17;
	vm0 =	vlt.f32 v6, $1.599999960e-03  }
0x196: {  	v59 =	vadd.f32 v5, v21;
	v60 =	vmul.f32 v2, v20;
	v31 =	vmpcnt.ones.xlane vm0  }
0x197: {  	v36 =	vmul.f32 v3, v22;
	v2 =	vmul.f32 v2, v25;
	v63 =	vadd.f32 v5, v26  }
0x198: {  	v3 =	vmul.f32 v3, v27;
	(v2sf) =	vpush v31, $0x0;
	v31 =	vadd.f32 v33, v54  }
0x199: {  	v62 =	vmul.f32 v4, v23;
	v34 =	vadd.f32 v35, v34;
	v61 =	vadd.f32 v36, v60  }
0x19a: {  	v2 =	vadd.f32 v3, v2;
	v3 =	vmul.f32 v4, v28;
	v31 =	vadd.f32 v55, v31  }
0x19b: {  	vm2 =	vgt.s32 v1, v13;
	v34 =	vadd.f32 v58, v34;
	v4 =	vadd.f32 v62, v61  }
0x19c: {  	vm3 =	vgt.s32 v1, v19;
	v2 =	vadd.f32 v3, v2;
	v31 =	vsub.f32 v56, v31  }
0x19d: {  	vm4 =	vgt.s32 v1, v24;
	v3 =	vadd.f32 v5, v29;
	v32 =	vsub.f32 v59, v34  }
0x19e: {  	vm5 =	vgt.s32 v1, v30;
	v4 =	vsub.f32 v63, v4;
	vm1 =	vlt.f32 v31, $1.599999960e-03  }
0x19f: {  	v2 =	vsub.f32 v3, v2;
	vm13 =	vlt.f32 v32, $1.599999960e-03;
	vm1 =	vmand vm2, vm1  }
0x1a0: {  	vm14 =	vlt.f32 v4, $1.599999960e-03;
	vm2 =	vmand vm3, vm13;
	v5 =	vmpcnt.ones.xlane vm1  }
0x1a1: {  	vm15 =	vlt.f32 v2, $1.599999960e-03;
	vm3 =	vmand vm4, vm14;
	v3 =	vmpcnt.ones.xlane vm2  }
0x1a2: {  	vm4 =	vmand vm5, vm15;
	v1 =	vmpcnt.ones.xlane vm3;
	(v2sf) =	vpush v5, $0x0  }
0x1a3: {  	(v2sf) =	vpush v3, $0x0;
	v3 =	vmpcnt.ones.xlane vm4  }
0x1a4: {  	(v2sf) =	vpush v1, $0x0  }
0x1a5: {  	(v2sf) =	vpush v3, $0x0;
	_ =	sdelay $0x9  }
0x1a6: {  	s6 =	sadd.s32 $0x1, s6  }
0x1a7: {  	p0 =	slt.u32 s6, s5;
	s1 =	spop (v2sf)  }
.Ltmp12:
0x1a8: {  	[tilespmem:s29+$0x4000] =	vst.msk vm0, v6;
	s1 =	sadd.s32 s29, s1;
	s2 =	spop (v2sf);
	(pc) =	sbr.rel @p0 .LBB2_10-.Ltmp12, $4  }
0x1a9: {  	[tilespmem:s1+$0x4000] =	vst.msk vm1, v31;
	s1 =	sadd.s32 s1, s2;
	s28 =	spop (v2sf)  }
0x1aa: {  	[tilespmem:s1+$0x4000] =	vst.msk vm2, v32;
	s1 =	sadd.s32 s1, s28;
	s30 =	spop (v2sf)  }
0x1ab: {  	[tilespmem:s1+$0x4000] =	vst.msk vm3, v4;
	s1 =	sadd.s32 s1, s30;
	s31 =	spop (v2sf)  }
0x1ac: {  	s0 =	sadd.s32 $0x10, s0;
	[tilespmem:s1+$0x4000] =	vst.msk vm4, v2;
	s29 =	sadd.s32 s1, s31  }
.LBB2_11:
0x1ad: {  	p0 =	slt.s32 s29, $0x1000  }
.Ltmp13:
0x1ae: {  	_ = 	snop;
	(pc) =	sbr.rel @p0 .LBB2_12-.Ltmp13, $1  }
0x1af: {  	_ =	sdelay $0x3  }
0x1b0: {  	s0 =	sadd.s32 $0xF, s29  }
0x1b1: {  	s0 =	sshrl.u32 s0, $0x4  }
0x1b2: {  	p5 =	sne.s32 s0, $0x1  }
.Ltmp14:
0x1b3: {  	_ = 	snop;
	(pc) =	sbr.rel @!p5 .LBB2_21-.Ltmp14, $4  }
0x1b4: {  	s1 =	rddreg [dreg:$0x19];
	s31 =	simm.s32 $0x4000;
	s5 =	simm.s32 $0x0  }
0x1b5: {  	p0 =	por $0x0, $0x0;
	p1 =	por $0x0, $0x0;
	p2 =	por $0x0, $0x0  }
0x1b6: {  	p3 =	por $0x0, $0x0;
	s2 =	rddreg [dreg:$0x16];
	s1 =	sadd.s32 s1, s29  }
0x1b7: {  	v7 =	vmov s29;
	p4 =	por $0x0, $0x0;
	v17 =	vld [tilespmem:s31+$0x0];
	[dreg:$0x19] =	wrdreg s1;
	s0 =	sadd.s32 $0xFFFFFFFF, s0  }
0x1b8: {  	_ =	sdelay $0x2  }
0x1b9: {  	p5 =	sne.s32 s0, $0x1  }
.Ltmp15:
0x1ba: {  	v1 =	vmax.f32 v17, $0.0e+00;
	(pc) =	sbr.rel @!p5 .LBB2_23-.Ltmp15, $3  }
0x1bb: {  	v8 =	vadd.f32 $9.999999960e-13, v1;
	_ =	sdelay $0x1  }
0x1bc: {  	s1 =	simm.s32 $0x4010;
	v1 =	vshrl.u32 v8, $0x1  }
0x1bd: {  	s0 =	sadd.s32 $0xFFFFFFFF, s0;
	p0 =	por $0x1, $0x1;
	v17 =	vld [tilespmem:s1+$0x0];
	v9 =	vmul.f32 $5.000000000e-01, v8;
	v13 =	vsub.s32 $0x5F3759DF, v1  }
0x1be: {  	_ =	sdelay $0x1  }
0x1bf: {  	v1 =	vmul.f32 v13, v9  }
0x1c0: {  	p5 =	sne.s32 s0, $0x1  }
.Ltmp16:
0x1c1: {  	v1 =	vmul.f32 v13, v1;
	v2 =	vmax.f32 v17, $0.0e+00;
	(pc) =	sbr.rel @!p5 .LBB2_25-.Ltmp16, $4  }
0x1c2: {  	v11 =	vadd.f32 $9.999999960e-13, v2  }
0x1c3: {  	v1 =	vsub.f32 $1.500000000e+00, v1  }
0x1c4: {  	s1 =	simm.s32 $0x4020;
	v2 =	vshrl.u32 v11, $0x1  }
0x1c5: {  	s0 =	sadd.s32 $0xFFFFFFFF, s0;
	p1 =	por $0x1, $0x1;
	v17 =	vld [tilespmem:s1+$0x0];
	v12 =	vmul.f32 $5.000000000e-01, v11;
	v24 =	vmul.f32 v13, v1;
	v16 =	vsub.s32 $0x5F3759DF, v2  }
0x1c6: {  	_ =	sdelay $0x1  }
0x1c7: {  	v1 =	vmul.f32 v16, v12;
	v2 =	vmul.f32 v24, v9  }
0x1c8: {  	p5 =	sne.s32 s0, $0x1  }
.Ltmp17:
0x1c9: {  	v1 =	vmul.f32 v16, v1;
	v2 =	vmul.f32 v2, v24;
	v3 =	vmax.f32 v17, $0.0e+00;
	(pc) =	sbr.rel @!p5 .LBB2_27-.Ltmp17, $4  }
0x1ca: {  	v15 =	vadd.f32 $9.999999960e-13, v3  }
0x1cb: {  	v1 =	vsub.f32 $1.500000000e+00, v1;
	v2 =	vsub.f32 $1.500000000e+00, v2  }
0x1cc: {  	s1 =	simm.s32 $0x4030;
	v3 =	vshrl.u32 v15, $0x1;
	v18 =	vmul.f32 $5.000000000e-01, v15  }
0x1cd: {  	s0 =	sadd.s32 $0xFFFFFFFF, s0;
	p2 =	por $0x1, $0x1;
	v17 =	vld [tilespmem:s1+$0x0];
	v20 =	vmul.f32 v16, v1;
	v16 =	vmul.f32 v2, v24;
	v13 =	vsub.s32 $0x5F3759DF, v3  }
0x1ce: {  	_ = 	snop  }
0x1cf: {  	v1 =	vmul.f32 v13, v18  }
0x1d0: {  	v2 =	vmul.f32 v20, v12;
	v3 =	vmul.f32 v16, v9  }
0x1d1: {  	p5 =	sne.s32 s0, $0x1;
	v1 =	vmul.f32 v13, v1  }
.Ltmp18:
0x1d2: {  	v2 =	vmul.f32 v2, v20;
	v3 =	vmul.f32 v3, v16;
	v4 =	vmax.f32 v17, $0.0e+00;
	(pc) =	sbr.rel @!p5 .LBB2_29-.Ltmp18, $4  }
0x1d3: {  	v1 =	vsub.f32 $1.500000000e+00, v1;
	v10 =	vadd.f32 $9.999999960e-13, v4  }
0x1d4: {  	v2 =	vsub.f32 $1.500000000e+00, v2;
	v3 =	vsub.f32 $1.500000000e+00, v3  }
0x1d5: {  	s1 =	simm.s32 $0x4040;
	v22 =	vmul.f32 v13, v1;
	v4 =	vshrl.u32 v10, $0x1;
	v14 =	vmul.f32 $5.000000000e-01, v10  }
0x1d6: {  	s0 =	sadd.s32 $0xFFFFFFFF, s0;
	p3 =	por $0x1, $0x1;
	v17 =	vld [tilespmem:s1+$0x0];
	v20 =	vmul.f32 v2, v20;
	v21 =	vmul.f32 v3, v16;
	v23 =	vsub.s32 $0x5F3759DF, v4  }
0x1d7: {  	_ = 	snop  }
0x1d8: {  	v1 =	vmul.f32 v23, v14;
	v2 =	vmul.f32 v22, v18  }
0x1d9: {  	v4 =	vmul.f32 v20, v12;
	v5 =	vmul.f32 v21, v8  }
0x1da: {  	v1 =	vmul.f32 v23, v1;
	v2 =	vmul.f32 v2, v22  }
0x1db: {  	p5 =	sne.s32 s0, $0x1;
	v4 =	vmul.f32 v4, v20;
	v5 =	vsub.f32 $3.999999910e-02, v5;
	v3 =	vmax.f32 v17, $0.0e+00  }
.Ltmp19:
0x1dc: {  	s1 =	simm.s32 $0x4050;
	v1 =	vsub.f32 $1.500000000e+00, v1;
	v32 =	vadd.f32 $9.999999960e-13, v3;
	v3 =	vor.u32 s5, v0;
	(pc) =	sbr.rel @!p5 .LBB2_31-.Ltmp19, $4  }
0x1dd: {  	v2 =	vsub.f32 $1.500000000e+00, v2;
	v17 =	vld [tilespmem:s1+$0x0];
	vm0 =	vlt.s32 v3, v7  }
0x1de: {  	v3 =	vsub.f32 $1.500000000e+00, v4;
	v4 =	vmul.f32 v5, v5;
	v24 =	vmul.f32 v23, v1  }
0x1df: {  	v25 =	vmovc v57;
	v27 =	vmovc v18;
	v23 =	vmul.f32 v2, v22;
	v6 =	vshrl.u32 v32, $0x1;
	v19 =	vmul.f32 $5.000000000e-01, v32  }
0x1e0: {  	s6 =	sadd.s32 $0xFFFFFFFF, s0;
	p4 =	por $0x1, $0x1;
	v28 =	vmovc v11;
	s0 =	simm.s32 $0x0;
	v26 =	vmovc v15;
	v13 =	vsub.s32 $0x5F3759DF, v6;
	v31 =	vmul.f32 v3, v20;
	v30 =	vnsel vm0, $0x0, v4  }
.LBB2_32:
0x1e1: {  	p5 =	sne.s32 s6, $0x1;
	v1 =	vmul.f32 v13, v19;
	v2 =	vmul.f32 v24, v14;
	v25 =	vadd.f32 v30, v25;
	v3 =	vmovc v24  }
0x1e2: {  	s0 =	sadd.s32 $0x10, s0;
	v4 =	vmax.f32 v17, $0.0e+00;
	v5 =	vmul.f32 v23, v27;
	v6 =	vmul.f32 v31, v28;
	v28 =	vmovc v26;
	v26 =	vmovc v10  }
0x1e3: {  	v24 =	vor.u32 s0, v0;
	v10 =	vmovc v32;
	v27 =	vmovc v14;
	v1 =	vmul.f32 v13, v1;
	v32 =	vadd.f32 $9.999999960e-13, v4  }
.Ltmp20:
0x1e4: {  	s1 =	sadd.s32 $0x10, s1;
	v14 =	vmovc v19;
	v2 =	vmul.f32 v2, v3;
	v4 =	vmul.f32 v5, v23;
	v5 =	vsub.f32 $3.999999910e-02, v6;
	(pc) =	sbr.rel @p5 .LBB2_32-.Ltmp20, $4  }
0x1e5: {  	vm0 =	vlt.s32 v24, v7;
	v17 =	vld [tilespmem:s1+$0x0];
	v6 =	vshrl.u32 v32, $0x1;
	v1 =	vsub.f32 $1.500000000e+00, v1  }
0x1e6: {  	v2 =	vsub.f32 $1.500000000e+00, v2;
	v4 =	vsub.f32 $1.500000000e+00, v4;
	v5 =	vmul.f32 v5, v5  }
0x1e7: {  	v19 =	vmul.f32 $5.000000000e-01, v32;
	v24 =	vmul.f32 v13, v1;
	v13 =	vsub.s32 $0x5F3759DF, v6  }
0x1e8: {  	s6 =	sadd.s32 $0xFFFFFFFF, s6;
	v31 =	vmul.f32 v4, v23;
	v23 =	vmul.f32 v2, v3;
	v30 =	vnsel vm0, $0x0, v5  }
0x1e9: {  	v29 =	vmov v10;
	v10 =	vmov v32  }
.LBB2_34:
0x1ea: {  	v1 =	vmul.f32 @p0 v13, v19;
	_ =	sdelay $0x1  }
0x1eb: {  	v2 =	vmax.f32 v17, $0.0e+00;
	v1 =	vmul.f32 @p0 v13, v1  }
0x1ec: {  	v3 =	vmul.f32 @p1 v24, v14;
	v2 =	vadd.f32 $9.999999960e-13, v2  }
0x1ed: {  	v5 =	vmul.f32 @p2 v23, v27;
	v6 =	vmul.f32 @p3 v31, v28;
	s0 =	sadd.s32 @p4 $0x10, s0;
	s1 =	simm.s32 $0x0;
	v17 =	vmovc @p1 v24;
	v1 =	vsub.f32 @p0 $1.500000000e+00, v1  }
0x1ee: {  	s1 =	smov.u32 @p4 s0;
	v3 =	vmul.f32 @p1 v3, v17;
	v51 =	vshrl.u32 v2, $0x1;
	v52 =	vmul.f32 $5.000000000e-01, v2  }
0x1ef: {  	v24 =	vsub.s32 $0x5F3759DF, v51;
	v1 =	vmul.f32 @p0 v13, v1;
	v13 =	vor.u32 @p3 s1, v0  }
0x1f0: {  	v18 =	vpsel p0, v19, v18;
	v5 =	vmul.f32 @p2 v5, v23;
	v53 =	vmul.f32 v24, v52  }
0x1f1: {  	v6 =	vsub.f32 @p3 $3.999999910e-02, v6;
	v3 =	vsub.f32 @p1 $1.500000000e+00, v3;
	v1 =	vpsel p0, v1, v22  }
0x1f2: {  	v19 =	vmul.f32 v24, v53;
	vm0 =	vlt.s32 @p3 v13, v7;
	v22 =	vmul.f32 @p0 v1, v18;
	v13 =	vmovc @p1 v14  }
0x1f3: {  	v4 =	vadd.f32 @p4 v30, v25;
	v5 =	vsub.f32 @p2 $1.500000000e+00, v5;
	v3 =	vmul.f32 @p1 v3, v17  }
0x1f4: {  	v6 =	vmul.f32 @p3 v6, v6;
	v54 =	vsub.f32 $1.500000000e+00, v19;
	v14 =	vmul.f32 @p0 v22, v1  }
0x1f5: {  	v5 =	vmul.f32 @p2 v5, v23;
	v3 =	vpsel p1, v3, v20;
	v12 =	vpsel p1, v13, v12;
	v13 =	vmovc @p2 v26  }
0x1f6: {  	v17 =	vmul.f32 v24, v54;
	v14 =	vsub.f32 @p0 $1.500000000e+00, v14;
	v13 =	vpsel p2, v13, v8  }
0x1f7: {  	v4 =	vpsel p4, v4, v57;
	v6 =	vnsel @p3 vm0, $0x0, v6;
	v12 =	vmul.f32 @p1 v3, v12  }
0x1f8: {  	v5 =	vpsel p2, v5, v21;
	v55 =	vmul.f32 v17, v52;
	v1 =	vmul.f32 @p0 v14, v1  }
0x1f9: {  	v6 =	vpsel p3, v6, v0;
	v12 =	vmul.f32 @p1 v12, v3;
	v5 =	vmul.f32 @p2 v5, v13;
	v13 =	vmovc @p0 v18  }
0x1fa: {  	v4 =	vadd.f32 @p3 v6, v4;
	v9 =	vpsel p0, v13, v9;
	v1 =	vpsel p0, v1, v16  }
0x1fb: {  	v56 =	vmul.f32 v55, v17;
	v6 =	vsub.f32 @p1 $1.500000000e+00, v12;
	v9 =	vmul.f32 @p0 v1, v9;
	_ =	sdelay $0x1  }
0x1fc: {  	v58 =	vsub.f32 $1.500000000e+00, v56;
	v3 =	vmul.f32 @p1 v6, v3;
	v6 =	vmul.f32 @p0 v9, v1  }
0x1fd: {  	v10 =	vpsel p0, v10, v15;
	s0 =	sadd.s32 @p3 $0x10, s1;
	s1 =	simm.s32 $0x0;
	v19 =	vmov @p1 v29;
	v5 =	vsub.f32 @p2 $3.999999910e-02, v5  }
0x1fe: {  	s1 =	smov.u32 @p3 s0;
	v11 =	vpsel p1, v19, v11;
	v59 =	vmul.f32 v58, v17;
	v6 =	vsub.f32 @p0 $1.500000000e+00, v6  }
0x1ff: {  	v8 =	vpsel p0, v10, v8;
	v13 =	vor.u32 @p2 s1, v0;
	v5 =	vmul.f32 @p2 v5, v5;
	v9 =	vmovc @p1 v11  }
0x200: {  	v3 =	vpsel p1, v3, v0;
	v60 =	vmul.f32 v59, v52;
	v9 =	vpsel p1, v9, v0  }
0x201: {  	vm0 =	vlt.s32 @p2 v13, v7;
	v3 =	vmul.f32 @p1 v3, v9;
	v1 =	vmul.f32 @p0 v6, v1  }
0x202: {  	v4 =	vpsel p3, v4, v57;
	v5 =	vnsel @p2 vm0, $0x0, v5;
	v61 =	vmul.f32 v60, v59;
	v6 =	vmovc @p0 v8  }
0x203: {  	s0 =	sadd.s32 @p2 $0x10, s1;
	s1 =	simm.s32 $0x0;
	v3 =	vsub.f32 @p1 $3.999999910e-02, v3;
	v1 =	vpsel p0, v1, v0;
	v6 =	vpsel p0, v6, v0  }
0x204: {  	s1 =	smov.u32 @p2 s0;
	v5 =	vpsel p2, v5, v0;
	v62 =	vsub.f32 $1.500000000e+00, v61;
	v1 =	vmul.f32 @p0 v1, v6  }
0x205: {  	s0 =	sadd.s32 @p1 $0x10, s1;
	v4 =	vadd.f32 @p2 v5, v4;
	v9 =	vor.u32 @p1 s1, v0;
	s1 =	simm.s32 $0x0;
	v3 =	vmul.f32 @p1 v3, v3  }
0x206: {  	vm0 =	vlt.s32 @p1 v9, v7;
	s1 =	smov.u32 @p1 s0;
	v63 =	vmul.f32 v62, v59;
	v1 =	vsub.f32 @p0 $3.999999910e-02, v1  }
0x207: {  	v4 =	vpsel p2, v4, v57;
	v6 =	vor.u32 @p0 s1, v0;
	v3 =	vnsel @p1 vm0, $0x0, v3  }
0x208: {  	v2 =	vmul.f32 v63, v2;
	v3 =	vpsel p1, v3, v0;
	v1 =	vmul.f32 @p0 v1, v1  }
0x209: {  	vm0 =	vlt.s32 @p0 v6, v7;
	v3 =	vadd.f32 @p1 v3, v4  }
0x20a: {  	s0 =	sadd.s32 @p0 $0x10, s1;
	v2 =	vsub.f32 $3.999999910e-02, v2;
	v1 =	vnsel @p0 vm0, $0x0, v1  }
.Ltmp21:
0x20b: {  	s5 =	smov.u32 @p0 s0;
	v3 =	vpsel p1, v3, v57;
	v1 =	vpsel p0, v1, v0;
	(pc) =	sbr.rel .LBB2_35-.Ltmp21, $4  }
0x20c: {  	v2 =	vmul.f32 v2, v2;
	v1 =	vadd.f32 @p0 v1, v3;
	v3 =	vor.u32 s5, v0  }
0x20d: {  	vm15 =	vlt.s32 v3, v7  }
0x20e: {  	v2 =	vnsel vm15, $0x0, v2;
	v1 =	vpsel p0, v1, v57  }
0x20f: {  	v57 =	vadd.f32 v2, v1  }
.LBB2_14:
.Ltmp22:
0x210: {  	(pc) =	sbr.rel .LBB2_19-.Ltmp22, $4  }
0x211: {  	s7 =	rddreg [dreg:$0x12]  }
0x212: {  	s8 =	rddreg [dreg:$0x13]  }
0x213: {  	s9 =	rddreg [dreg:$0x14]  }
0x214: {  	s10 =	rddreg [dreg:$0x15]  }
.LBB2_16:
.Ltmp23:
0x215: {  	(pc) =	sbr.rel .LBB2_19-.Ltmp23, $3  }
0x216: {  	_ = 	snop  }
0x217: {  	v57 =	vld [tilespmem:$0x1FFC0];
	_ =	sdelay $0x1  }
0x218: {  	v53 =	vmov v39  }
.LBB2_21:
.Ltmp24:
0x219: {  	(pc) =	sbr.rel .LBB2_34-.Ltmp24, $2  }
0x21a: {  	_ =	sdelay $0x2  }
0x21b: {  	v25 =	vmov v57;
	s0 =	simm.s32 $0x0  }
.LBB2_23:
.Ltmp25:
0x21c: {  	(pc) =	sbr.rel .LBB2_34-.Ltmp25, $2  }
0x21d: {  	_ =	sdelay $0x2  }
0x21e: {  	v10 =	vmov v8;
	v25 =	vmov v57;
	s0 =	simm.s32 $0x0;
	v19 =	vmov v9  }
.LBB2_25:
.Ltmp26:
0x21f: {  	(pc) =	sbr.rel .LBB2_34-.Ltmp26, $3  }
0x220: {  	_ =	sdelay $0x1  }
0x221: {  	v14 =	vmov v9  }
0x222: {  	v29 =	vmovc v8;
	v10 =	vmovc v11;
	v13 =	vmov v16;
	v25 =	vmov v57;
	s0 =	simm.s32 $0x0;
	v19 =	vmov v12  }
.LBB2_27:
.Ltmp27:
0x223: {  	(pc) =	sbr.rel .LBB2_34-.Ltmp27, $3  }
0x224: {  	_ =	sdelay $0x1  }
0x225: {  	v19 =	vmovc v18;
	v14 =	vmov v12;
	v29 =	vmov v11;
	v10 =	vmov v15  }
0x226: {  	v25 =	vmovc v57;
	v27 =	vmovc v9;
	s0 =	simm.s32 $0x0;
	v26 =	vmov v8;
	v24 =	vmov v20;
	v23 =	vmov v16  }
.LBB2_29:
.Ltmp28:
0x227: {  	(pc) =	sbr.rel .LBB2_34-.Ltmp28, $4  }
0x228: {  	_ = 	snop  }
0x229: {  	v19 =	vmov v14  }
0x22a: {  	v13 =	vmovc v23;
	v14 =	vmovc v18;
	v24 =	vmov v22;
	v25 =	vmov v57;
	v27 =	vmov v12  }
0x22b: {  	v28 =	vmovc v8;
	s0 =	simm.s32 $0x0;
	v26 =	vmovc v11;
	v29 =	vmov v15;
	v23 =	vmov v20;
	v31 =	vmov v21  }
.LBB2_31:
.Ltmp29:
0x22c: {  	(pc) =	sbr.rel .LBB2_34-.Ltmp29, $3  }
0x22d: {  	_ =	sdelay $0x1  }
0x22e: {  	v29 =	vmov v10  }
0x22f: {  	v25 =	vmovc v57;
	v27 =	vmovc v18;
	v28 =	vmov v11;
	s0 =	simm.s32 $0x0;
	v26 =	vmov v15;
	v10 =	vmov v32  }
.LBB2_36:
0x230: {  	s0 =	sadd.s32 $0xF, s29  }
0x231: {  	s0 =	sshrl.u32 s0, $0x4  }
0x232: {  	p0 =	seq.s32 s0, $0x0  }
.Ltmp30:
0x233: {  	_ = 	snop;
	(pc) =	sbr.rel @p0 .LBB2_37-.Ltmp30, $2  }
0x234: {  	_ =	sdelay $0x2  }
0x235: {  	s8 =	simm.s32 $0x0  }
0x236: {  	p5 =	sne.s32 s0, $0x1  }
.Ltmp31:
0x237: {  	_ = 	snop;
	(pc) =	sbr.rel @!p5 .LBB2_39-.Ltmp31, $4  }
0x238: {  	_ = 	snop  }
0x239: {  	s1 =	simm.s32 $0x4000;
	s5 =	simm.s32 $0x0;
	s0 =	sadd.s32 $0xFFFFFFFF, s0  }
0x23a: {  	p0 =	por $0x0, $0x0;
	p1 =	por $0x0, $0x0;
	p2 =	por $0x0, $0x0  }
0x23b: {  	v7 =	vmov s29;
	p3 =	por $0x0, $0x0;
	p4 =	por $0x0, $0x0;
	s2 =	rddreg [dreg:$0x19];
	v17 =	vld [tilespmem:s1+$0x0]  }
0x23c: {  	_ =	sdelay $0x2  }
0x23d: {  	p5 =	sne.s32 s0, $0x1  }
.Ltmp32:
0x23e: {  	v1 =	vmax.f32 v17, $0.0e+00;
	(pc) =	sbr.rel @!p5 .LBB2_41-.Ltmp32, $3  }
0x23f: {  	v8 =	vadd.f32 $9.999999960e-13, v1;
	_ =	sdelay $0x1  }
0x240: {  	s1 =	simm.s32 $0x4010;
	v1 =	vshrl.u32 v8, $0x1  }
0x241: {  	s0 =	sadd.s32 $0xFFFFFFFF, s0;
	p0 =	por $0x1, $0x1;
	v17 =	vld [tilespmem:s1+$0x0];
	v9 =	vmul.f32 $5.000000000e-01, v8;
	v13 =	vsub.s32 $0x5F3759DF, v1  }
0x242: {  	_ =	sdelay $0x1  }
0x243: {  	v1 =	vmul.f32 v13, v9  }
0x244: {  	p5 =	sne.s32 s0, $0x1  }
.Ltmp33:
0x245: {  	v1 =	vmul.f32 v13, v1;
	v2 =	vmax.f32 v17, $0.0e+00;
	(pc) =	sbr.rel @!p5 .LBB2_43-.Ltmp33, $4  }
0x246: {  	v11 =	vadd.f32 $9.999999960e-13, v2  }
0x247: {  	v1 =	vsub.f32 $1.500000000e+00, v1  }
0x248: {  	s1 =	simm.s32 $0x4020;
	v2 =	vshrl.u32 v11, $0x1  }
0x249: {  	s0 =	sadd.s32 $0xFFFFFFFF, s0;
	p1 =	por $0x1, $0x1;
	v17 =	vld [tilespmem:s1+$0x0];
	v12 =	vmul.f32 $5.000000000e-01, v11;
	v24 =	vmul.f32 v13, v1;
	v16 =	vsub.s32 $0x5F3759DF, v2  }
0x24a: {  	_ =	sdelay $0x1  }
0x24b: {  	v1 =	vmul.f32 v16, v12;
	v2 =	vmul.f32 v24, v9  }
0x24c: {  	p5 =	sne.s32 s0, $0x1  }
.Ltmp34:
0x24d: {  	v1 =	vmul.f32 v16, v1;
	v2 =	vmul.f32 v2, v24;
	v3 =	vmax.f32 v17, $0.0e+00;
	(pc) =	sbr.rel @!p5 .LBB2_45-.Ltmp34, $4  }
0x24e: {  	v15 =	vadd.f32 $9.999999960e-13, v3  }
0x24f: {  	v1 =	vsub.f32 $1.500000000e+00, v1;
	v2 =	vsub.f32 $1.500000000e+00, v2  }
0x250: {  	s1 =	simm.s32 $0x4030;
	v3 =	vshrl.u32 v15, $0x1;
	v18 =	vmul.f32 $5.000000000e-01, v15  }
0x251: {  	s0 =	sadd.s32 $0xFFFFFFFF, s0;
	p2 =	por $0x1, $0x1;
	v17 =	vld [tilespmem:s1+$0x0];
	v20 =	vmul.f32 v16, v1;
	v16 =	vmul.f32 v2, v24;
	v13 =	vsub.s32 $0x5F3759DF, v3  }
0x252: {  	_ = 	snop  }
0x253: {  	v1 =	vmul.f32 v13, v18  }
0x254: {  	v2 =	vmul.f32 v20, v12;
	v3 =	vmul.f32 v16, v9  }
0x255: {  	p5 =	sne.s32 s0, $0x1;
	v1 =	vmul.f32 v13, v1  }
.Ltmp35:
0x256: {  	v2 =	vmul.f32 v2, v20;
	v3 =	vmul.f32 v3, v16;
	v4 =	vmax.f32 v17, $0.0e+00;
	(pc) =	sbr.rel @!p5 .LBB2_47-.Ltmp35, $4  }
0x257: {  	v1 =	vsub.f32 $1.500000000e+00, v1;
	v10 =	vadd.f32 $9.999999960e-13, v4  }
0x258: {  	v2 =	vsub.f32 $1.500000000e+00, v2;
	v3 =	vsub.f32 $1.500000000e+00, v3  }
0x259: {  	s1 =	simm.s32 $0x4040;
	v22 =	vmul.f32 v13, v1;
	v4 =	vshrl.u32 v10, $0x1;
	v14 =	vmul.f32 $5.000000000e-01, v10  }
0x25a: {  	s0 =	sadd.s32 $0xFFFFFFFF, s0;
	p3 =	por $0x1, $0x1;
	v17 =	vld [tilespmem:s1+$0x0];
	v20 =	vmul.f32 v2, v20;
	v21 =	vmul.f32 v3, v16;
	v23 =	vsub.s32 $0x5F3759DF, v4  }
0x25b: {  	_ = 	snop  }
0x25c: {  	v1 =	vmul.f32 v23, v14;
	v2 =	vmul.f32 v22, v18  }
0x25d: {  	v4 =	vmul.f32 v20, v12;
	v5 =	vmul.f32 v21, v8  }
0x25e: {  	v1 =	vmul.f32 v23, v1;
	v2 =	vmul.f32 v2, v22  }
0x25f: {  	p5 =	sne.s32 s0, $0x1;
	v4 =	vmul.f32 v4, v20;
	v5 =	vsub.f32 $3.999999910e-02, v5;
	v3 =	vmax.f32 v17, $0.0e+00  }
.Ltmp36:
0x260: {  	s1 =	simm.s32 $0x4050;
	v1 =	vsub.f32 $1.500000000e+00, v1;
	v32 =	vadd.f32 $9.999999960e-13, v3;
	v3 =	vor.u32 s5, v0;
	(pc) =	sbr.rel @!p5 .LBB2_49-.Ltmp36, $4  }
0x261: {  	v2 =	vsub.f32 $1.500000000e+00, v2;
	v17 =	vld [tilespmem:s1+$0x0];
	vm0 =	vlt.s32 v3, v7  }
0x262: {  	v3 =	vsub.f32 $1.500000000e+00, v4;
	v4 =	vmul.f32 v5, v5;
	v24 =	vmul.f32 v23, v1  }
0x263: {  	v25 =	vmovc v57;
	v27 =	vmovc v18;
	v23 =	vmul.f32 v2, v22;
	v6 =	vshrl.u32 v32, $0x1;
	v19 =	vmul.f32 $5.000000000e-01, v32  }
0x264: {  	s6 =	sadd.s32 $0xFFFFFFFF, s0;
	p4 =	por $0x1, $0x1;
	v28 =	vmovc v11;
	s0 =	simm.s32 $0x0;
	v26 =	vmovc v15;
	v13 =	vsub.s32 $0x5F3759DF, v6;
	v31 =	vmul.f32 v3, v20;
	v30 =	vnsel vm0, $0x0, v4  }
.LBB2_50:
0x265: {  	p5 =	sne.s32 s6, $0x1;
	v1 =	vmul.f32 v13, v19;
	v2 =	vmul.f32 v24, v14;
	v25 =	vadd.f32 v30, v25;
	v3 =	vmovc v24  }
0x266: {  	s0 =	sadd.s32 $0x10, s0;
	v4 =	vmax.f32 v17, $0.0e+00;
	v5 =	vmul.f32 v23, v27;
	v6 =	vmul.f32 v31, v28;
	v28 =	vmovc v26;
	v26 =	vmovc v10  }
0x267: {  	v24 =	vor.u32 s0, v0;
	v10 =	vmovc v32;
	v27 =	vmovc v14;
	v1 =	vmul.f32 v13, v1;
	v32 =	vadd.f32 $9.999999960e-13, v4  }
.Ltmp37:
0x268: {  	s1 =	sadd.s32 $0x10, s1;
	v14 =	vmovc v19;
	v2 =	vmul.f32 v2, v3;
	v4 =	vmul.f32 v5, v23;
	v5 =	vsub.f32 $3.999999910e-02, v6;
	(pc) =	sbr.rel @p5 .LBB2_50-.Ltmp37, $4  }
0x269: {  	vm0 =	vlt.s32 v24, v7;
	v17 =	vld [tilespmem:s1+$0x0];
	v6 =	vshrl.u32 v32, $0x1;
	v1 =	vsub.f32 $1.500000000e+00, v1  }
0x26a: {  	v2 =	vsub.f32 $1.500000000e+00, v2;
	v4 =	vsub.f32 $1.500000000e+00, v4;
	v5 =	vmul.f32 v5, v5  }
0x26b: {  	v19 =	vmul.f32 $5.000000000e-01, v32;
	v24 =	vmul.f32 v13, v1;
	v13 =	vsub.s32 $0x5F3759DF, v6  }
0x26c: {  	s6 =	sadd.s32 $0xFFFFFFFF, s6;
	v31 =	vmul.f32 v4, v23;
	v23 =	vmul.f32 v2, v3;
	v30 =	vnsel vm0, $0x0, v5  }
0x26d: {  	v29 =	vmov v10;
	v10 =	vmov v32  }
.LBB2_52:
0x26e: {  	v1 =	vmul.f32 @p0 v13, v19;
	_ =	sdelay $0x1  }
0x26f: {  	v2 =	vmax.f32 v17, $0.0e+00;
	v1 =	vmul.f32 @p0 v13, v1  }
0x270: {  	v3 =	vmul.f32 @p1 v24, v14;
	v2 =	vadd.f32 $9.999999960e-13, v2  }
0x271: {  	v5 =	vmul.f32 @p2 v23, v27;
	v6 =	vmul.f32 @p3 v31, v28;
	s0 =	sadd.s32 @p4 $0x10, s0;
	s1 =	simm.s32 $0x0;
	v17 =	vmovc @p1 v24;
	v1 =	vsub.f32 @p0 $1.500000000e+00, v1  }
0x272: {  	s1 =	smov.u32 @p4 s0;
	v3 =	vmul.f32 @p1 v3, v17;
	v51 =	vshrl.u32 v2, $0x1;
	v52 =	vmul.f32 $5.000000000e-01, v2  }
0x273: {  	v24 =	vsub.s32 $0x5F3759DF, v51;
	v1 =	vmul.f32 @p0 v13, v1;
	v13 =	vor.u32 @p3 s1, v0  }
0x274: {  	v18 =	vpsel p0, v19, v18;
	v5 =	vmul.f32 @p2 v5, v23;
	v53 =	vmul.f32 v24, v52  }
0x275: {  	v6 =	vsub.f32 @p3 $3.999999910e-02, v6;
	v3 =	vsub.f32 @p1 $1.500000000e+00, v3;
	v1 =	vpsel p0, v1, v22  }
0x276: {  	v19 =	vmul.f32 v24, v53;
	vm0 =	vlt.s32 @p3 v13, v7;
	v22 =	vmul.f32 @p0 v1, v18;
	v13 =	vmovc @p1 v14  }
0x277: {  	v4 =	vadd.f32 @p4 v30, v25;
	v5 =	vsub.f32 @p2 $1.500000000e+00, v5;
	v3 =	vmul.f32 @p1 v3, v17  }
0x278: {  	v6 =	vmul.f32 @p3 v6, v6;
	v54 =	vsub.f32 $1.500000000e+00, v19;
	v14 =	vmul.f32 @p0 v22, v1  }
0x279: {  	v5 =	vmul.f32 @p2 v5, v23;
	v3 =	vpsel p1, v3, v20;
	v12 =	vpsel p1, v13, v12;
	v13 =	vmovc @p2 v26  }
0x27a: {  	v17 =	vmul.f32 v24, v54;
	v14 =	vsub.f32 @p0 $1.500000000e+00, v14;
	v13 =	vpsel p2, v13, v8  }
0x27b: {  	v4 =	vpsel p4, v4, v57;
	v6 =	vnsel @p3 vm0, $0x0, v6;
	v12 =	vmul.f32 @p1 v3, v12  }
0x27c: {  	v5 =	vpsel p2, v5, v21;
	v55 =	vmul.f32 v17, v52;
	v1 =	vmul.f32 @p0 v14, v1  }
0x27d: {  	v6 =	vpsel p3, v6, v0;
	v12 =	vmul.f32 @p1 v12, v3;
	v5 =	vmul.f32 @p2 v5, v13;
	v13 =	vmovc @p0 v18  }
0x27e: {  	v4 =	vadd.f32 @p3 v6, v4;
	v9 =	vpsel p0, v13, v9;
	v1 =	vpsel p0, v1, v16  }
0x27f: {  	v56 =	vmul.f32 v55, v17;
	v6 =	vsub.f32 @p1 $1.500000000e+00, v12;
	v9 =	vmul.f32 @p0 v1, v9;
	_ =	sdelay $0x1  }
0x280: {  	v58 =	vsub.f32 $1.500000000e+00, v56;
	v3 =	vmul.f32 @p1 v6, v3;
	v6 =	vmul.f32 @p0 v9, v1  }
0x281: {  	v10 =	vpsel p0, v10, v15;
	s0 =	sadd.s32 @p3 $0x10, s1;
	s1 =	simm.s32 $0x0;
	v19 =	vmov @p1 v29;
	v5 =	vsub.f32 @p2 $3.999999910e-02, v5  }
0x282: {  	s1 =	smov.u32 @p3 s0;
	v11 =	vpsel p1, v19, v11;
	v59 =	vmul.f32 v58, v17;
	v6 =	vsub.f32 @p0 $1.500000000e+00, v6  }
0x283: {  	v8 =	vpsel p0, v10, v8;
	v13 =	vor.u32 @p2 s1, v0;
	v5 =	vmul.f32 @p2 v5, v5;
	v9 =	vmovc @p1 v11  }
0x284: {  	v3 =	vpsel p1, v3, v0;
	v60 =	vmul.f32 v59, v52;
	v9 =	vpsel p1, v9, v0  }
0x285: {  	vm0 =	vlt.s32 @p2 v13, v7;
	v3 =	vmul.f32 @p1 v3, v9;
	v1 =	vmul.f32 @p0 v6, v1  }
0x286: {  	v4 =	vpsel p3, v4, v57;
	v5 =	vnsel @p2 vm0, $0x0, v5;
	v61 =	vmul.f32 v60, v59;
	v6 =	vmovc @p0 v8  }
0x287: {  	s0 =	sadd.s32 @p2 $0x10, s1;
	s1 =	simm.s32 $0x0;
	v3 =	vsub.f32 @p1 $3.999999910e-02, v3;
	v1 =	vpsel p0, v1, v0;
	v6 =	vpsel p0, v6, v0  }
0x288: {  	s1 =	smov.u32 @p2 s0;
	v5 =	vpsel p2, v5, v0;
	v62 =	vsub.f32 $1.500000000e+00, v61;
	v1 =	vmul.f32 @p0 v1, v6  }
0x289: {  	s0 =	sadd.s32 @p1 $0x10, s1;
	v4 =	vadd.f32 @p2 v5, v4;
	v9 =	vor.u32 @p1 s1, v0;
	s1 =	simm.s32 $0x0;
	v3 =	vmul.f32 @p1 v3, v3  }
0x28a: {  	vm0 =	vlt.s32 @p1 v9, v7;
	s1 =	smov.u32 @p1 s0;
	v63 =	vmul.f32 v62, v59;
	v1 =	vsub.f32 @p0 $3.999999910e-02, v1  }
0x28b: {  	v4 =	vpsel p2, v4, v57;
	v6 =	vor.u32 @p0 s1, v0;
	v3 =	vnsel @p1 vm0, $0x0, v3  }
0x28c: {  	v2 =	vmul.f32 v63, v2;
	v3 =	vpsel p1, v3, v0;
	v1 =	vmul.f32 @p0 v1, v1  }
0x28d: {  	vm0 =	vlt.s32 @p0 v6, v7;
	v3 =	vadd.f32 @p1 v3, v4  }
0x28e: {  	s0 =	sadd.s32 @p0 $0x10, s1;
	v2 =	vsub.f32 $3.999999910e-02, v2;
	v1 =	vnsel @p0 vm0, $0x0, v1  }
.Ltmp38:
0x28f: {  	s5 =	smov.u32 @p0 s0;
	v3 =	vpsel p1, v3, v57;
	v1 =	vpsel p0, v1, v0;
	(pc) =	sbr.rel .LBB2_53-.Ltmp38, $4  }
0x290: {  	v2 =	vmul.f32 v2, v2;
	v1 =	vadd.f32 @p0 v1, v3;
	v3 =	vor.u32 s5, v0  }
0x291: {  	vm15 =	vlt.s32 v3, v7  }
0x292: {  	v2 =	vnsel vm15, $0x0, v2;
	v1 =	vpsel p0, v1, v57  }
0x293: {  	s3 =	rddreg [dreg:$0x10];
	v57 =	vadd.f32 v2, v1  }
.LBB2_39:
.Ltmp39:
0x294: {  	(pc) =	sbr.rel .LBB2_52-.Ltmp39, $2  }
0x295: {  	_ =	sdelay $0x2  }
0x296: {  	v25 =	vmov v57;
	s0 =	simm.s32 $0x0  }
.LBB2_41:
.Ltmp40:
0x297: {  	(pc) =	sbr.rel .LBB2_52-.Ltmp40, $2  }
0x298: {  	_ =	sdelay $0x2  }
0x299: {  	v10 =	vmov v8;
	v25 =	vmov v57;
	s0 =	simm.s32 $0x0;
	v19 =	vmov v9  }
.LBB2_43:
.Ltmp41:
0x29a: {  	(pc) =	sbr.rel .LBB2_52-.Ltmp41, $3  }
0x29b: {  	_ =	sdelay $0x1  }
0x29c: {  	v14 =	vmov v9  }
0x29d: {  	v29 =	vmovc v8;
	v10 =	vmovc v11;
	v13 =	vmov v16;
	v25 =	vmov v57;
	s0 =	simm.s32 $0x0;
	v19 =	vmov v12  }
.LBB2_45:
.Ltmp42:
0x29e: {  	(pc) =	sbr.rel .LBB2_52-.Ltmp42, $3  }
0x29f: {  	_ =	sdelay $0x1  }
0x2a0: {  	v19 =	vmovc v18;
	v14 =	vmov v12;
	v29 =	vmov v11;
	v10 =	vmov v15  }
0x2a1: {  	v25 =	vmovc v57;
	v27 =	vmovc v9;
	s0 =	simm.s32 $0x0;
	v26 =	vmov v8;
	v24 =	vmov v20;
	v23 =	vmov v16  }
.LBB2_47:
.Ltmp43:
0x2a2: {  	(pc) =	sbr.rel .LBB2_52-.Ltmp43, $4  }
0x2a3: {  	_ = 	snop  }
0x2a4: {  	v19 =	vmov v14  }
0x2a5: {  	v13 =	vmovc v23;
	v14 =	vmovc v18;
	v24 =	vmov v22;
	v25 =	vmov v57;
	v27 =	vmov v12  }
0x2a6: {  	v28 =	vmovc v8;
	s0 =	simm.s32 $0x0;
	v26 =	vmovc v11;
	v29 =	vmov v15;
	v23 =	vmov v20;
	v31 =	vmov v21  }
.LBB2_49:
.Ltmp44:
0x2a7: {  	(pc) =	sbr.rel .LBB2_52-.Ltmp44, $3  }
0x2a8: {  	_ =	sdelay $0x1  }
0x2a9: {  	v29 =	vmov v10  }
0x2aa: {  	v25 =	vmovc v57;
	v27 =	vmovc v18;
	v28 =	vmov v11;
	s0 =	simm.s32 $0x0;
	v26 =	vmov v15;
	v10 =	vmov v32  }
.LBB2_54:
0x2ab: {  	_ =	sfence.sel $0x180000  }
0x2ac: {  	[bflag:$0x0] =	sbarrier.arrive $0xFFFF  }
0x2ad: {  	_ =	strace $0x90000047  }
0x2ae: {  	s0 =	stileid.u32;
	[bflag:$0x2] =	sbarrier.arrive $0xFFFF  }
0x2af: {  	p0 =	sne.s32 s0, $0x0;
	s0 =	rddreg [dreg:$0x1]  }
0x2b0: {  	s0 =	sadd.s32 @!p0 $0x100000, s0  }
0x2b1: {  	[sflag:s0] =	ssyncadd.tile.s32 @!p0 $0x1;
	_ =	shalt  }
.Lfunc_end2:
_tile_overlayer_lowered:
.L_overlay_start_2:
0x2b2: {  	(tag) =	ssettag $0x2  }
0x2b3: {  	s0 =	rddreg [dreg:$0x0];
	s2 =	stileid.u32  }
0x2b4: {  	s1 =	rddreg [dreg:$0x1];
	p0 =	sne.s32 s2, $0x0  }
0x2b5: {  	s3 =	rddreg [dreg:$0x2];
	[bflag:$0x3] =	sbarrier.arrive $0xFFFF;
	s2 =	simm.s32 @!p0 $0x1C01  }
0x2b6: {  	[timem:s3], [sflag:s2] =	dma.local @!p0 [hbm:s0], s1  }
0x2b7: {  	s0 =	simm.s32 @!p0 $0x1  }
0x2b8: {  	_ =	swait.ge @!p0 [sflag:s0], s1  }
0x2b9: {  	s1 =	ssub.s32 @!p0 $0x0, s1;
	[sflag:s0] =	ssyncset.done @!p0 $0x0  }
0x2ba: {  	[sflag:s0] =	ssyncadd.s32 @!p0 s1  }
0x2bb: {  	[bflag:$0x3] =	sbarrier.arrive $0xFFFF  }
0x2bc: {  	_ =	shalt  }

</sc_bundles>
